<compile_context>
chip_gen: v7x
topology: tpu7x:2x2x1
jax: 0.10.2.dev20260603
libtpu: 0.0.44.dev20260713+nightly
codegen_flags: <defaults>
</compile_context>

<pallas_src>
import functools

import jax
import jax.numpy as jnp
import numpy as np
from jax import lax
from jax.experimental import pallas as pl
from jax.experimental.pallas import tpu as pltpu
from jax.experimental.pallas import tpu_sc as plsc

_GRID_H, _GRID_W = 16, 16
_PATCH = 16
_SEQ = _GRID_H * _GRID_W
_EMB = 1024
_K = 8192
_CODE = 32



def _tril(h, w):
    n = h * w
    return np.tril(np.ones([n, n], np.float32))


def _row_mask(h, w):
    mask = _tril(h, w)
    step = w + 1
    for col in range(mask.shape[1]):
        mask[col + step:, col] = 0.0
    return mask


def _col_mask(h, w):
    mask = _tril(h, w)
    step = w - 1
    for col in range(mask.shape[1]):
        for i in range(1, mask.shape[0], step + 1):
            mask[col + i:col + i + step, col] = 0.0
    return mask


def _conv_mask(h, w, kernel_size=11):
    mask = _tril(h, w)
    shift = kernel_size // 2
    for pos in range(mask.shape[1]):
        mask[pos + 1:, pos] = 0.0
        row = pos // w
        col = pos % w
        for r in range(-shift, shift + 1):
            for c in range(-shift, shift + 1):
                c_abs = max(min(c + col, w - 1), 0)
                r_abs = max(min(r + row, h - 1), 0)
                cell_id = r_abs * w + c_abs
                if cell_id > pos:
                    mask[cell_id, pos] = 1.0
    return mask


_ATTN_MASK_NP = np.stack([
    _row_mask(_GRID_H, _GRID_W),
    _col_mask(_GRID_H, _GRID_W),
    _conv_mask(_GRID_H, _GRID_W),
    _tril(_GRID_H, _GRID_W),
])




def _tc_body(img_ref, w_ref, cbt2_ref, csq_ref, tok_ref):
    a = img_ref[0]
    at = a.reshape(_GRID_H, _PATCH, _GRID_W, 48).transpose(0, 2, 1, 3)
    p = at.reshape(_SEQ, _PATCH * _PATCH * 3)
    z = jnp.dot(p, w_ref[...], preferred_element_type=jnp.float32)
    zc2 = jnp.dot(z, cbt2_ref[...], preferred_element_type=jnp.float32)
    dist = zc2 + csq_ref[...]
    m = jnp.min(dist, axis=-1, keepdims=True)
    iif = lax.broadcasted_iota(jnp.int32, (1, _K), 1).astype(jnp.float32)
    idxf = jnp.min(jnp.where(dist == m, iif, jnp.float32(_K)), axis=-1)
    tok_ref[0] = idxf.astype(jnp.int32)[None, :] + 2


def _tc_call(img3, w_enc, cbt2, csq):
    bs = img3.shape[0]
    return pl.pallas_call(
        _tc_body,
        grid=(bs,),
        in_specs=[
            pl.BlockSpec((1, _SEQ, _PATCH * _PATCH * 3), lambda b: (b, 0, 0)),
            pl.BlockSpec((_PATCH * _PATCH * 3, _CODE), lambda b: (0, 0)),
            pl.BlockSpec((_CODE, _K), lambda b: (0, 0)),
            pl.BlockSpec((1, _K), lambda b: (0, 0)),
        ],
        out_specs=pl.BlockSpec((1, 1, _SEQ), lambda b: (b, 0, 0)),
        out_shape=jax.ShapeDtypeStruct((bs, 1, _SEQ), jnp.int32),
        compiler_params=pltpu.CompilerParams(
            dimension_semantics=("arbitrary",),
        ),
    )(img3, w_enc, cbt2, csq)


def _mask_body(mask_ref, out_ref):
    out_ref[0] = mask_ref[...]


def _mask_call(mask_const, bs):
    return pl.pallas_call(
        _mask_body,
        grid=(bs,),
        in_specs=[pl.BlockSpec((4, _SEQ, _SEQ), lambda b: (0, 0, 0))],
        out_specs=pl.BlockSpec((1, 4, _SEQ, _SEQ), lambda b: (b, 0, 0, 0)),
        out_shape=jax.ShapeDtypeStruct((bs, 4, _SEQ, _SEQ), jnp.float32),
        compiler_params=pltpu.CompilerParams(
            dimension_semantics=("arbitrary",),
        ),
    )(mask_const)



_NC, _NS = 2, 16
_NW = _NC * _NS
_STRIPE = _SEQ // _NW
_NBUF = 4


def _sc_body(tok_hbm, emb_hbm, pos_hbm, out_hbm, idx_all, pos_v, bufs, gsems, osems):
    wid = lax.axis_index("s") * _NC + lax.axis_index("c")
    pos_base = wid * _STRIPE
    n_b = tok_hbm.shape[0] // _SEQ

    pltpu.sync_copy(pos_hbm.at[pl.ds(pos_base, _STRIPE)], pos_v)
    pltpu.sync_copy(tok_hbm, idx_all)

    def gather_start(b, j):
        pltpu.async_copy(
            emb_hbm.at[idx_all.at[pl.ds(b * _SEQ + pos_base, _STRIPE)]],
            bufs[j], gsems[j])

    def gather_wait(j):
        pltpu.make_async_copy(
            emb_hbm.at[pl.ds(0, _STRIPE)], bufs[j], gsems[j]).wait()

    def out_start(b, j):
        start = b * _SEQ + pos_base
        pltpu.async_copy(bufs[j], out_hbm.at[pl.ds(start, _STRIPE)], osems[j])

    def out_wait(j):
        pltpu.make_async_copy(
            bufs[j], out_hbm.at[pl.ds(0, _STRIPE)], osems[j]).wait()

    for j in range(_NBUF):
        gather_start(j, j)

    def group(g, carry):
        for j in range(_NBUF):
            b = g * _NBUF + j
            gather_wait(j)

            def add_blk(q, c2):
                for i in range(_STRIPE):
                    bufs[j][i, pl.ds(q * 16, 16)] = (
                        bufs[j][i, pl.ds(q * 16, 16)] + pos_v[i, pl.ds(q * 16, 16)])
                return c2

            lax.fori_loop(0, _EMB // 16, add_blk, 0)
            out_start(b, j)
            out_wait(j)

            @pl.when(b + _NBUF < n_b)
            def _():
                gather_start(b + _NBUF, j)
        return carry

    lax.fori_loop(0, n_b // _NBUF, group, 0)


def _sc_call(tok_flat, embedding, pos_emb):
    n_tok = tok_flat.shape[0]
    return pl.kernel(
        lambda tok, emb, pos, out, idx_all, pos_v, b0, b1, b2, b3, g0, g1, g2, g3, o0, o1, o2, o3: _sc_body(
            tok, emb, pos, out, idx_all, pos_v,
            [b0, b1, b2, b3], [g0, g1, g2, g3], [o0, o1, o2, o3]),
        out_type=jax.ShapeDtypeStruct((n_tok, _EMB), jnp.float32),
        mesh=plsc.VectorSubcoreMesh(core_axis_name="c", subcore_axis_name="s"),
        scratch_types=(
            [pltpu.VMEM((n_tok,), jnp.int32),
             pltpu.VMEM((_STRIPE, _EMB), jnp.float32)]
            + [pltpu.VMEM((_STRIPE, _EMB), jnp.float32) for _ in range(_NBUF)]
            + [pltpu.SemaphoreType.DMA for _ in range(2 * _NBUF)]
        ),
    )(tok_flat, embedding, pos_emb)




def kernel(image, embedding, codebook, W_enc, pos_emb_cache):
    bs = image.shape[0]
    img3 = image.reshape(bs, _SEQ, _PATCH * 3 * _GRID_W)
    cbt2 = codebook.T * jnp.float32(-2.0)
    csq = jnp.sum(codebook * codebook, axis=-1)[None, :]
    mask_const = jnp.asarray(_ATTN_MASK_NP)

    tok3 = _tc_call(img3, W_enc, cbt2, csq)
    target_tokens = tok3.reshape(bs, _SEQ)

    input_tokens = jnp.concatenate(
        [jnp.zeros((bs, 1), jnp.int32), target_tokens], axis=1)[:, :-1]
    x_flat = _sc_call(input_tokens.reshape(-1), embedding, pos_emb_cache)
    attn_mask = _mask_call(mask_const, bs)
    x = x_flat.reshape(bs, _SEQ, _EMB)
    return (x, target_tokens, attn_mask)

# --- scband reference (transcript-rebuilt; emitter-appended) ---
"""Pipeline reference for scband-image-vi-tvqgan-49143015801387 (READ-ONLY COPY).

The authoritative reference and input builder live on the scoring server;
editing this copy changes nothing except your own understanding.
"""

import jax, jax.numpy as jnp
import numpy as np

GRID_H, GRID_W = 16, 16
PATCH = 16
B = 64
EMB = 1024
K = 8192
CODE = 32


def _init_mask(h, w):
    n = h * w
    return np.tril(np.ones([n, n], np.float32))


def get_row_mask(h, w):
    mask = _init_mask(h, w)
    step = w + 1
    for col in range(mask.shape[1]):
        mask[col + step:, col] = 0.0
    return mask


def get_col_mask(h, w):
    mask = _init_mask(h, w)
    step = w - 1
    for col in range(mask.shape[1]):
        for i in range(1, mask.shape[0], step + 1):
            mask[col + i:col + i + step, col] = 0.0
    return mask


def get_conv_mask(h, w, kernel=11):
    mask = _init_mask(h, w)
    shift = kernel // 2
    for pos in range(mask.shape[1]):
        mask[pos + 1:, pos] = 0.0
        row = pos // w
        col = pos % w
        for r in range(-shift, shift + 1):
            for c in range(-shift, shift + 1):
                c_abs = max(min(c + col, w - 1), 0)
                r_abs = max(min(r + row, h - 1), 0)
                cell_id = r_abs * w + c_abs
                if cell_id > pos:
                    mask[cell_id, pos] = 1.0
    return mask


ATTN_MASK = np.stack([
    get_row_mask(GRID_H, GRID_W),
    get_col_mask(GRID_H, GRID_W),
    get_conv_mask(GRID_H, GRID_W),
    _init_mask(GRID_H, GRID_W),
])


def setup_inputs(seed: int = 0) -> dict:
    key = jax.random.key(seed)
    k1, k2, k3, k4, k5 = jax.random.split(key, 5)
    image = jax.random.normal(k1, (B, 256, 256, 3), jnp.float32)
    embedding = jax.random.normal(k2, (K + 2, EMB), jnp.float32) * 0.02
    codebook = jax.random.normal(k3, (K, CODE), jnp.float32)
    W_enc = jax.random.normal(k4, (PATCH * PATCH * 3, CODE), jnp.float32) * 0.02
    pos_emb_cache = jax.random.normal(k5, (GRID_H * GRID_W, EMB), jnp.float32) * 0.02
    return {"image": image, "embedding": embedding, "codebook": codebook,
            "W_enc": W_enc, "pos_emb_cache": pos_emb_cache}


def reference(image, embedding, codebook, W_enc, pos_emb_cache):
    bs = image.shape[0]
    # --- discrete_vae.get_codebook_indices: patchify + encode + nearest codebook entry ---
    patches = image.reshape(bs, GRID_H, PATCH, GRID_W, PATCH, 3)
    patches = patches.transpose(0, 1, 3, 2, 4, 5).reshape(bs, GRID_H * GRID_W, PATCH * PATCH * 3)
    z = patches @ W_enc  # [B, S, CODE]
    dist = (jnp.sum(z ** 2, axis=-1, keepdims=True)
            - 2.0 * (z @ codebook.T)
            + jnp.sum(codebook ** 2, axis=-1)[None, None, :])
    idx = jnp.argmin(dist, axis=-1)  # [B, S]
    # --- target_image_to_seq ---
    target_tokens = jax.lax.stop_gradient(idx + 2)
    input_tokens = jnp.concatenate(
        [jnp.zeros((bs, 1), jnp.int32), target_tokens.astype(jnp.int32)], axis=1)[:, :-1]
    # --- get_target_sequence: embedding lookup + positional embedding ---
    x = jnp.take(embedding, input_tokens, axis=0)  # [B, S, EMB]
    seq_len = x.shape[1]
    pos_emb = jnp.tile(pos_emb_cache[:seq_len][None, :, :], (bs, 1, 1))
    x = x + pos_emb
    attn_pattern_mask = jnp.tile(jnp.asarray(ATTN_MASK, jnp.float32)[None, :, :, :], (bs, 1, 1, 1))
    return (x, target_tokens, attn_pattern_mask)

if __name__ == "__main__":
    import jax
    _d = setup_inputs()
    print(jax.jit(kernel)(*tuple(_d.values())))

</pallas_src>

<mosaic_0001>
#map = affine_map<(d0, d1) -> (0)>
#map1 = affine_map<(d0, d1) -> (0, 0)>
module attributes {stable_mosaic.version = 14 : i64} {
  func.func @_lambda_(%arg0: i32, %arg1: i32, %arg2: memref<16384xi32, #tpu.memory_space<hbm>>, %arg3: memref<8194x1024xf32, #tpu.memory_space<hbm>>, %arg4: memref<256x1024xf32, #tpu.memory_space<hbm>>, %arg5: memref<16384x1024xf32, #tpu.memory_space<hbm>>, %arg6: memref<16384xi32, #tpu.memory_space<vmem>>, %arg7: memref<8x1024xf32, #tpu.memory_space<vmem>>, %arg8: memref<8x1024xf32, #tpu.memory_space<vmem>>, %arg9: memref<8x1024xf32, #tpu.memory_space<vmem>>, %arg10: memref<8x1024xf32, #tpu.memory_space<vmem>>, %arg11: memref<8x1024xf32, #tpu.memory_space<vmem>>, %arg12: memref<!tpu.dma_semaphore, #tpu.memory_space<semaphore_mem>>, %arg13: memref<!tpu.dma_semaphore, #tpu.memory_space<semaphore_mem>>, %arg14: memref<!tpu.dma_semaphore, #tpu.memory_space<semaphore_mem>>, %arg15: memref<!tpu.dma_semaphore, #tpu.memory_space<semaphore_mem>>, %arg16: memref<!tpu.dma_semaphore, #tpu.memory_space<semaphore_mem>>, %arg17: memref<!tpu.dma_semaphore, #tpu.memory_space<semaphore_mem>>, %arg18: memref<!tpu.dma_semaphore, #tpu.memory_space<semaphore_mem>>, %arg19: memref<!tpu.dma_semaphore, #tpu.memory_space<semaphore_mem>>) attributes {dimension_semantics = [#tpu.dimension_semantics<core_parallel>, #tpu.dimension_semantics<subcore_parallel>], iteration_bounds = array<i64: 2, 16>, scalar_prefetch = 0 : i64, scratch_operands = 14 : i64, tpu.core_type = #tpu.core_type<sc_vector_subcore>, window_params = [{transform_indices = #map}, {transform_indices = #map1}, {transform_indices = #map1}, {transform_indices = #map1}]} {
    %mul3A = arith.constant 2 : i32
    %mul3A_0 = arith.muli %arg1, %mul3A : i32
    %add3A = arith.addi %mul3A_0, %arg0 : i32
    %mul3A_1 = arith.constant 8 : i32
    %mul3A_2 = arith.muli %add3A, %mul3A_1 : i32
    "tpu.region"() ({
      %run_scoped3A = tpu.sem_alloc : memref<!tpu.dma_semaphore, #tpu.memory_space<semaphore_mem>>
      %dma_start3A_31 = arith.constant 0 : i32
      %dma_start3A_32 = tpu.memref_slice %arg4[%mul3A_2, %dma_start3A_31] : memref<256x1024xf32, #tpu.memory_space<hbm>> -> memref<8x1024xf32, #tpu.memory_space<hbm>>
      %dma_start3A_33 = arith.constant 0 : i32
      %dma_start3A_34 = tpu.memref_slice %arg4[%mul3A_2, %dma_start3A_33] : memref<256x1024xf32, #tpu.memory_space<hbm>> -> memref<8x1024xf32, #tpu.memory_space<hbm>>
      tpu.enqueue_dma source(%dma_start3A_34 : memref<8x1024xf32, #tpu.memory_space<hbm>>) target(%arg7 : memref<8x1024xf32, #tpu.memory_space<vmem>>) target_semaphore(%run_scoped3A : memref<!tpu.dma_semaphore, #tpu.memory_space<semaphore_mem>>)
      %dma_wait3A = arith.constant 0 : i32
      %dma_wait3A_35 = tpu.memref_slice %arg4[%mul3A_2, %dma_wait3A] : memref<256x1024xf32, #tpu.memory_space<hbm>> -> memref<8x1024xf32, #tpu.memory_space<hbm>>
      %dma_wait3A_36 = arith.constant 0 : i32
      %dma_wait3A_37 = tpu.memref_slice %arg4[%mul3A_2, %dma_wait3A_36] : memref<256x1024xf32, #tpu.memory_space<hbm>> -> memref<8x1024xf32, #tpu.memory_space<hbm>>
      tpu.wait_dma2 semaphore(%run_scoped3A : memref<!tpu.dma_semaphore, #tpu.memory_space<semaphore_mem>>) src(%dma_wait3A_37 : memref<8x1024xf32, #tpu.memory_space<hbm>>) dst(%arg7 : memref<8x1024xf32, #tpu.memory_space<vmem>>)
      tpu.yield
    }) : () -> ()
    "tpu.region"() ({
      %run_scoped3A = tpu.sem_alloc : memref<!tpu.dma_semaphore, #tpu.memory_space<semaphore_mem>>
      tpu.enqueue_dma source(%arg2 : memref<16384xi32, #tpu.memory_space<hbm>>) target(%arg6 : memref<16384xi32, #tpu.memory_space<vmem>>) target_semaphore(%run_scoped3A : memref<!tpu.dma_semaphore, #tpu.memory_space<semaphore_mem>>)
      tpu.wait_dma2 semaphore(%run_scoped3A : memref<!tpu.dma_semaphore, #tpu.memory_space<semaphore_mem>>) src(%arg2 : memref<16384xi32, #tpu.memory_space<hbm>>) dst(%arg6 : memref<16384xi32, #tpu.memory_space<vmem>>)
      tpu.yield
    }) : () -> ()
    %add3A_3 = arith.constant 0 : i32
    %add3A_4 = arith.addi %add3A_3, %mul3A_2 : i32
    %dma_start3A = tpu.memref_slice %arg6[%add3A_4] : memref<16384xi32, #tpu.memory_space<vmem>> -> memref<8xi32, #tpu.memory_space<vmem>>
    %dma_start3A_5 = arith.constant 0 : i32
    %dma_start3A_6 = arith.constant 0 : i32
    %dma_start3A_7 = tpu.memref_slice %arg3[%dma_start3A_5, %dma_start3A_6] : memref<8194x1024xf32, #tpu.memory_space<hbm>> -> memref<8194x1024xf32, #tpu.memory_space<hbm>>
    tpu.enqueue_indirect_dma source(%dma_start3A_7 : memref<8194x1024xf32, #tpu.memory_space<hbm>>) target(%arg8 : memref<8x1024xf32, #tpu.memory_space<vmem>>) offsets(%dma_start3A : memref<8xi32, #tpu.memory_space<vmem>>) semaphore(%arg12 : memref<!tpu.dma_semaphore, #tpu.memory_space<semaphore_mem>>)
    %add3A_8 = arith.constant 256 : i32
    %add3A_9 = arith.addi %add3A_8, %mul3A_2 : i32
    %dma_start3A_10 = tpu.memref_slice %arg6[%add3A_9] : memref<16384xi32, #tpu.memory_space<vmem>> -> memref<8xi32, #tpu.memory_space<vmem>>
    %dma_start3A_11 = arith.constant 0 : i32
    %dma_start3A_12 = arith.constant 0 : i32
    %dma_start3A_13 = tpu.memref_slice %arg3[%dma_start3A_11, %dma_start3A_12] : memref<8194x1024xf32, #tpu.memory_space<hbm>> -> memref<8194x1024xf32, #tpu.memory_space<hbm>>
    tpu.enqueue_indirect_dma source(%dma_start3A_13 : memref<8194x1024xf32, #tpu.memory_space<hbm>>) target(%arg9 : memref<8x1024xf32, #tpu.memory_space<vmem>>) offsets(%dma_start3A_10 : memref<8xi32, #tpu.memory_space<vmem>>) semaphore(%arg13 : memref<!tpu.dma_semaphore, #tpu.memory_space<semaphore_mem>>)
    %add3A_14 = arith.constant 512 : i32
    %add3A_15 = arith.addi %add3A_14, %mul3A_2 : i32
    %dma_start3A_16 = tpu.memref_slice %arg6[%add3A_15] : memref<16384xi32, #tpu.memory_space<vmem>> -> memref<8xi32, #tpu.memory_space<vmem>>
    %dma_start3A_17 = arith.constant 0 : i32
    %dma_start3A_18 = arith.constant 0 : i32
    %dma_start3A_19 = tpu.memref_slice %arg3[%dma_start3A_17, %dma_start3A_18] : memref<8194x1024xf32, #tpu.memory_space<hbm>> -> memref<8194x1024xf32, #tpu.memory_space<hbm>>
    tpu.enqueue_indirect_dma source(%dma_start3A_19 : memref<8194x1024xf32, #tpu.memory_space<hbm>>) target(%arg10 : memref<8x1024xf32, #tpu.memory_space<vmem>>) offsets(%dma_start3A_16 : memref<8xi32, #tpu.memory_space<vmem>>) semaphore(%arg14 : memref<!tpu.dma_semaphore, #tpu.memory_space<semaphore_mem>>)
    %add3A_20 = arith.constant 768 : i32
    %add3A_21 = arith.addi %add3A_20, %mul3A_2 : i32
    %dma_start3A_22 = tpu.memref_slice %arg6[%add3A_21] : memref<16384xi32, #tpu.memory_space<vmem>> -> memref<8xi32, #tpu.memory_space<vmem>>
    %dma_start3A_23 = arith.constant 0 : i32
    %dma_start3A_24 = arith.constant 0 : i32
    %dma_start3A_25 = tpu.memref_slice %arg3[%dma_start3A_23, %dma_start3A_24] : memref<8194x1024xf32, #tpu.memory_space<hbm>> -> memref<8194x1024xf32, #tpu.memory_space<hbm>>
    tpu.enqueue_indirect_dma source(%dma_start3A_25 : memref<8194x1024xf32, #tpu.memory_space<hbm>>) target(%arg11 : memref<8x1024xf32, #tpu.memory_space<vmem>>) offsets(%dma_start3A_22 : memref<8xi32, #tpu.memory_space<vmem>>) semaphore(%arg15 : memref<!tpu.dma_semaphore, #tpu.memory_space<semaphore_mem>>)
    %scan3A = arith.constant 0 : i32
    %scan3A_26 = arith.constant 0 : i32
    %scan3A_27 = arith.constant 16 : i32
    %scan3A_28 = arith.addi %scan3A_26, %scan3A_27 : i32
    %scan3A_29 = arith.constant 1 : i32
    scf.for %scan3A_31 = %scan3A_26 to %scan3A_28 step %scan3A_29  : i32 {
      %mul3A_32 = arith.constant 4 : i32
      %mul3A_33 = arith.muli %scan3A_31, %mul3A_32 : i32
      %add3A_34 = arith.constant 0 : i32
      %add3A_35 = arith.addi %mul3A_33, %add3A_34 : i32
      %dma_wait3A = arith.constant 0 : i32
      %dma_wait3A_36 = arith.constant 0 : i32
      %dma_wait3A_37 = tpu.memref_slice %arg3[%dma_wait3A, %dma_wait3A_36] : memref<8194x1024xf32, #tpu.memory_space<hbm>> -> memref<8x1024xf32, #tpu.memory_space<hbm>>
      %dma_wait3A_38 = arith.constant 0 : i32
      %dma_wait3A_39 = arith.constant 0 : i32
      %dma_wait3A_40 = tpu.memref_slice %arg3[%dma_wait3A_38, %dma_wait3A_39] : memref<8194x1024xf32, #tpu.memory_space<hbm>> -> memref<8x1024xf32, #tpu.memory_space<hbm>>
      tpu.wait_dma2 semaphore(%arg12 : memref<!tpu.dma_semaphore, #tpu.memory_space<semaphore_mem>>) src(%dma_wait3A_40 : memref<8x1024xf32, #tpu.memory_space<hbm>>) dst(%arg8 : memref<8x1024xf32, #tpu.memory_space<vmem>>)
      %scan3A_41 = arith.constant 0 : i32
      %scan3A_42 = arith.constant 0 : i32
      %scan3A_43 = arith.constant 64 : i32
      %scan3A_44 = arith.addi %scan3A_42, %scan3A_43 : i32
      %scan3A_45 = arith.constant 1 : i32
      scf.for %scan3A_172 = %scan3A_42 to %scan3A_44 step %scan3A_45  : i32 {
        %mul3A_173 = arith.constant 16 : i32
        %mul3A_174 = arith.muli %scan3A_172, %mul3A_173 : i32
        %get3A = arith.constant 0 : i32
        %get3A_175 = arith.index_cast %get3A : i32 to index
        %get3A_176 = arith.index_cast %mul3A_174 : i32 to index
        %get3A_177 = tpu.vector_load %arg8[%get3A_175, %get3A_176] {strides = array<i32>} : memref<8x1024xf32, #tpu.memory_space<vmem>>, vector<1x16xf32>,
        %get3A_178 = vector.shape_cast %get3A_177 : vector<1x16xf32> to vector<16xf32>
        %mul3A_179 = arith.constant 16 : i32
        %mul3A_180 = arith.muli %scan3A_172, %mul3A_179 : i32
        %get3A_181 = arith.constant 0 : i32
        %get3A_182 = arith.index_cast %get3A_181 : i32 to index
        %get3A_183 = arith.index_cast %mul3A_180 : i32 to index
        %get3A_184 = tpu.vector_load %arg7[%get3A_182, %get3A_183] {strides = array<i32>} : memref<8x1024xf32, #tpu.memory_space<vmem>>, vector<1x16xf32>,
        %get3A_185 = vector.shape_cast %get3A_184 : vector<1x16xf32> to vector<16xf32>
        %add3A_186 = arith.addf %get3A_178, %get3A_185 : vector<16xf32>
        %mul3A_187 = arith.constant 16 : i32
        %mul3A_188 = arith.muli %scan3A_172, %mul3A_187 : i32
        %swap3A = arith.constant 0 : i32
        %swap3A_189 = arith.index_cast %swap3A : i32 to index
        %swap3A_190 = arith.index_cast %mul3A_188 : i32 to index
        %swap3A_191 = tpu.vector_load %arg8[%swap3A_189, %swap3A_190] {strides = array<i32>} : memref<8x1024xf32, #tpu.memory_space<vmem>>, vector<1x16xf32>,
        %swap3A_192 = vector.shape_cast %swap3A_191 : vector<1x16xf32> to vector<16xf32>
        %swap3A_193 = vector.shape_cast %add3A_186 : vector<16xf32> to vector<1x16xf32>
        tpu.vector_store %arg8[%swap3A_189, %swap3A_190], %swap3A_193 {strides = array<i32>} : memref<8x1024xf32, #tpu.memory_space<vmem>>, vector<1x16xf32>,
        %mul3A_194 = arith.constant 16 : i32
        %mul3A_195 = arith.muli %scan3A_172, %mul3A_194 : i32
        %get3A_196 = arith.constant 1 : i32
        %get3A_197 = arith.index_cast %get3A_196 : i32 to index
        %get3A_198 = arith.index_cast %mul3A_195 : i32 to index
        %get3A_199 = tpu.vector_load %arg8[%get3A_197, %get3A_198] {strides = array<i32>} : memref<8x1024xf32, #tpu.memory_space<vmem>>, vector<1x16xf32>,
        %get3A_200 = vector.shape_cast %get3A_199 : vector<1x16xf32> to vector<16xf32>
        %mul3A_201 = arith.constant 16 : i32
        %mul3A_202 = arith.muli %scan3A_172, %mul3A_201 : i32
        %get3A_203 = arith.constant 1 : i32
        %get3A_204 = arith.index_cast %get3A_203 : i32 to index
        %get3A_205 = arith.index_cast %mul3A_202 : i32 to index
        %get3A_206 = tpu.vector_load %arg7[%get3A_204, %get3A_205] {strides = array<i32>} : memref<8x1024xf32, #tpu.memory_space<vmem>>, vector<1x16xf32>,
        %get3A_207 = vector.shape_cast %get3A_206 : vector<1x16xf32> to vector<16xf32>
        %add3A_208 = arith.addf %get3A_200, %get3A_207 : vector<16xf32>
        %mul3A_209 = arith.constant 16 : i32
        %mul3A_210 = arith.muli %scan3A_172, %mul3A_209 : i32
        %swap3A_211 = arith.constant 1 : i32
        %swap3A_212 = arith.index_cast %swap3A_211 : i32 to index
        %swap3A_213 = arith.index_cast %mul3A_210 : i32 to index
        %swap3A_214 = tpu.vector_load %arg8[%swap3A_212, %swap3A_213] {strides = array<i32>} : memref<8x1024xf32, #tpu.memory_space<vmem>>, vector<1x16xf32>,
        %swap3A_215 = vector.shape_cast %swap3A_214 : vector<1x16xf32> to vector<16xf32>
        %swap3A_216 = vector.shape_cast %add3A_208 : vector<16xf32> to vector<1x16xf32>
        tpu.vector_store %arg8[%swap3A_212, %swap3A_213], %swap3A_216 {strides = array<i32>} : memref<8x1024xf32, #tpu.memory_space<vmem>>, vector<1x16xf32>,
        %mul3A_217 = arith.constant 16 : i32
        %mul3A_218 = arith.muli %scan3A_172, %mul3A_217 : i32
        %get3A_219 = arith.constant 2 : i32
        %get3A_220 = arith.index_cast %get3A_219 : i32 to index
        %get3A_221 = arith.index_cast %mul3A_218 : i32 to index
        %get3A_222 = tpu.vector_load %arg8[%get3A_220, %get3A_221] {strides = array<i32>} : memref<8x1024xf32, #tpu.memory_space<vmem>>, vector<1x16xf32>,
        %get3A_223 = vector.shape_cast %get3A_222 : vector<1x16xf32> to vector<16xf32>
        %mul3A_224 = arith.constant 16 : i32
        %mul3A_225 = arith.muli %scan3A_172, %mul3A_224 : i32
        %get3A_226 = arith.constant 2 : i32
        %get3A_227 = arith.index_cast %get3A_226 : i32 to index
        %get3A_228 = arith.index_cast %mul3A_225 : i32 to index
        %get3A_229 = tpu.vector_load %arg7[%get3A_227, %get3A_228] {strides = array<i32>} : memref<8x1024xf32, #tpu.memory_space<vmem>>, vector<1x16xf32>,
        %get3A_230 = vector.shape_cast %get3A_229 : vector<1x16xf32> to vector<16xf32>
        %add3A_231 = arith.addf %get3A_223, %get3A_230 : vector<16xf32>
        %mul3A_232 = arith.constant 16 : i32
        %mul3A_233 = arith.muli %scan3A_172, %mul3A_232 : i32
        %swap3A_234 = arith.constant 2 : i32
        %swap3A_235 = arith.index_cast %swap3A_234 : i32 to index
        %swap3A_236 = arith.index_cast %mul3A_233 : i32 to index
        %swap3A_237 = tpu.vector_load %arg8[%swap3A_235, %swap3A_236] {strides = array<i32>} : memref<8x1024xf32, #tpu.memory_space<vmem>>, vector<1x16xf32>,
        %swap3A_238 = vector.shape_cast %swap3A_237 : vector<1x16xf32> to vector<16xf32>
        %swap3A_239 = vector.shape_cast %add3A_231 : vector<16xf32> to vector<1x16xf32>
        tpu.vector_store %arg8[%swap3A_235, %swap3A_236], %swap3A_239 {strides = array<i32>} : memref<8x1024xf32, #tpu.memory_space<vmem>>, vector<1x16xf32>,
        %mul3A_240 = arith.constant 16 : i32
        %mul3A_241 = arith.muli %scan3A_172, %mul3A_240 : i32
        %get3A_242 = arith.constant 3 : i32
        %get3A_243 = arith.index_cast %get3A_242 : i32 to index
        %get3A_244 = arith.index_cast %mul3A_241 : i32 to index
        %get3A_245 = tpu.vector_load %arg8[%get3A_243, %get3A_244] {strides = array<i32>} : memref<8x1024xf32, #tpu.memory_space<vmem>>, vector<1x16xf32>,
        %get3A_246 = vector.shape_cast %get3A_245 : vector<1x16xf32> to vector<16xf32>
        %mul3A_247 = arith.constant 16 : i32
        %mul3A_248 = arith.muli %scan3A_172, %mul3A_247 : i32
        %get3A_249 = arith.constant 3 : i32
        %get3A_250 = arith.index_cast %get3A_249 : i32 to index
        %get3A_251 = arith.index_cast %mul3A_248 : i32 to index
        %get3A_252 = tpu.vector_load %arg7[%get3A_250, %get3A_251] {strides = array<i32>} : memref<8x1024xf32, #tpu.memory_space<vmem>>, vector<1x16xf32>,
        %get3A_253 = vector.shape_cast %get3A_252 : vector<1x16xf32> to vector<16xf32>
        %add3A_254 = arith.addf %get3A_246, %get3A_253 : vector<16xf32>
        %mul3A_255 = arith.constant 16 : i32
        %mul3A_256 = arith.muli %scan3A_172, %mul3A_255 : i32
        %swap3A_257 = arith.constant 3 : i32
        %swap3A_258 = arith.index_cast %swap3A_257 : i32 to index
        %swap3A_259 = arith.index_cast %mul3A_256 : i32 to index
        %swap3A_260 = tpu.vector_load %arg8[%swap3A_258, %swap3A_259] {strides = array<i32>} : memref<8x1024xf32, #tpu.memory_space<vmem>>, vector<1x16xf32>,
        %swap3A_261 = vector.shape_cast %swap3A_260 : vector<1x16xf32> to vector<16xf32>
        %swap3A_262 = vector.shape_cast %add3A_254 : vector<16xf32> to vector<1x16xf32>
        tpu.vector_store %arg8[%swap3A_258, %swap3A_259], %swap3A_262 {strides = array<i32>} : memref<8x1024xf32, #tpu.memory_space<vmem>>, vector<1x16xf32>,
        %mul3A_263 = arith.constant 16 : i32
        %mul3A_264 = arith.muli %scan3A_172, %mul3A_263 : i32
        %get3A_265 = arith.constant 4 : i32
        %get3A_266 = arith.index_cast %get3A_265 : i32 to index
        %get3A_267 = arith.index_cast %mul3A_264 : i32 to index
        %get3A_268 = tpu.vector_load %arg8[%get3A_266, %get3A_267] {strides = array<i32>} : memref<8x1024xf32, #tpu.memory_space<vmem>>, vector<1x16xf32>,
        %get3A_269 = vector.shape_cast %get3A_268 : vector<1x16xf32> to vector<16xf32>
        %mul3A_270 = arith.constant 16 : i32
        %mul3A_271 = arith.muli %scan3A_172, %mul3A_270 : i32
        %get3A_272 = arith.constant 4 : i32
        %get3A_273 = arith.index_cast %get3A_272 : i32 to index
        %get3A_274 = arith.index_cast %mul3A_271 : i32 to index
        %get3A_275 = tpu.vector_load %arg7[%get3A_273, %get3A_274] {strides = array<i32>} : memref<8x1024xf32, #tpu.memory_space<vmem>>, vector<1x16xf32>,
        %get3A_276 = vector.shape_cast %get3A_275 : vector<1x16xf32> to vector<16xf32>
        %add3A_277 = arith.addf %get3A_269, %get3A_276 : vector<16xf32>
        %mul3A_278 = arith.constant 16 : i32
        %mul3A_279 = arith.muli %scan3A_172, %mul3A_278 : i32
        %swap3A_280 = arith.constant 4 : i32
        %swap3A_281 = arith.index_cast %swap3A_280 : i32 to index
        %swap3A_282 = arith.index_cast %mul3A_279 : i32 to index
        %swap3A_283 = tpu.vector_load %arg8[%swap3A_281, %swap3A_282] {strides = array<i32>} : memref<8x1024xf32, #tpu.memory_space<vmem>>, vector<1x16xf32>,
        %swap3A_284 = vector.shape_cast %swap3A_283 : vector<1x16xf32> to vector<16xf32>
        %swap3A_285 = vector.shape_cast %add3A_277 : vector<16xf32> to vector<1x16xf32>
        tpu.vector_store %arg8[%swap3A_281, %swap3A_282], %swap3A_285 {strides = array<i32>} : memref<8x1024xf32, #tpu.memory_space<vmem>>, vector<1x16xf32>,
        %mul3A_286 = arith.constant 16 : i32
        %mul3A_287 = arith.muli %scan3A_172, %mul3A_286 : i32
        %get3A_288 = arith.constant 5 : i32
        %get3A_289 = arith.index_cast %get3A_288 : i32 to index
        %get3A_290 = arith.index_cast %mul3A_287 : i32 to index
        %get3A_291 = tpu.vector_load %arg8[%get3A_289, %get3A_290] {strides = array<i32>} : memref<8x1024xf32, #tpu.memory_space<vmem>>, vector<1x16xf32>,
        %get3A_292 = vector.shape_cast %get3A_291 : vector<1x16xf32> to vector<16xf32>
        %mul3A_293 = arith.constant 16 : i32
        %mul3A_294 = arith.muli %scan3A_172, %mul3A_293 : i32
        %get3A_295 = arith.constant 5 : i32
        %get3A_296 = arith.index_cast %get3A_295 : i32 to index
        %get3A_297 = arith.index_cast %mul3A_294 : i32 to index
        %get3A_298 = tpu.vector_load %arg7[%get3A_296, %get3A_297] {strides = array<i32>} : memref<8x1024xf32, #tpu.memory_space<vmem>>, vector<1x16xf32>,
        %get3A_299 = vector.shape_cast %get3A_298 : vector<1x16xf32> to vector<16xf32>
        %add3A_300 = arith.addf %get3A_292, %get3A_299 : vector<16xf32>
        %mul3A_301 = arith.constant 16 : i32
        %mul3A_302 = arith.muli %scan3A_172, %mul3A_301 : i32
        %swap3A_303 = arith.constant 5 : i32
        %swap3A_304 = arith.index_cast %swap3A_303 : i32 to index
        %swap3A_305 = arith.index_cast %mul3A_302 : i32 to index
        %swap3A_306 = tpu.vector_load %arg8[%swap3A_304, %swap3A_305] {strides = array<i32>} : memref<8x1024xf32, #tpu.memory_space<vmem>>, vector<1x16xf32>,
        %swap3A_307 = vector.shape_cast %swap3A_306 : vector<1x16xf32> to vector<16xf32>
        %swap3A_308 = vector.shape_cast %add3A_300 : vector<16xf32> to vector<1x16xf32>
        tpu.vector_store %arg8[%swap3A_304, %swap3A_305], %swap3A_308 {strides = array<i32>} : memref<8x1024xf32, #tpu.memory_space<vmem>>, vector<1x16xf32>,
        %mul3A_309 = arith.constant 16 : i32
        %mul3A_310 = arith.muli %scan3A_172, %mul3A_309 : i32
        %get3A_311 = arith.constant 6 : i32
        %get3A_312 = arith.index_cast %get3A_311 : i32 to index
        %get3A_313 = arith.index_cast %mul3A_310 : i32 to index
        %get3A_314 = tpu.vector_load %arg8[%get3A_312, %get3A_313] {strides = array<i32>} : memref<8x1024xf32, #tpu.memory_space<vmem>>, vector<1x16xf32>,
        %get3A_315 = vector.shape_cast %get3A_314 : vector<1x16xf32> to vector<16xf32>
        %mul3A_316 = arith.constant 16 : i32
        %mul3A_317 = arith.muli %scan3A_172, %mul3A_316 : i32
        %get3A_318 = arith.constant 6 : i32
        %get3A_319 = arith.index_cast %get3A_318 : i32 to index
        %get3A_320 = arith.index_cast %mul3A_317 : i32 to index
        %get3A_321 = tpu.vector_load %arg7[%get3A_319, %get3A_320] {strides = array<i32>} : memref<8x1024xf32, #tpu.memory_space<vmem>>, vector<1x16xf32>,
        %get3A_322 = vector.shape_cast %get3A_321 : vector<1x16xf32> to vector<16xf32>
        %add3A_323 = arith.addf %get3A_315, %get3A_322 : vector<16xf32>
        %mul3A_324 = arith.constant 16 : i32
        %mul3A_325 = arith.muli %scan3A_172, %mul3A_324 : i32
        %swap3A_326 = arith.constant 6 : i32
        %swap3A_327 = arith.index_cast %swap3A_326 : i32 to index
        %swap3A_328 = arith.index_cast %mul3A_325 : i32 to index
        %swap3A_329 = tpu.vector_load %arg8[%swap3A_327, %swap3A_328] {strides = array<i32>} : memref<8x1024xf32, #tpu.memory_space<vmem>>, vector<1x16xf32>,
        %swap3A_330 = vector.shape_cast %swap3A_329 : vector<1x16xf32> to vector<16xf32>
        %swap3A_331 = vector.shape_cast %add3A_323 : vector<16xf32> to vector<1x16xf32>
        tpu.vector_store %arg8[%swap3A_327, %swap3A_328], %swap3A_331 {strides = array<i32>} : memref<8x1024xf32, #tpu.memory_space<vmem>>, vector<1x16xf32>,
        %mul3A_332 = arith.constant 16 : i32
        %mul3A_333 = arith.muli %scan3A_172, %mul3A_332 : i32
        %get3A_334 = arith.constant 7 : i32
        %get3A_335 = arith.index_cast %get3A_334 : i32 to index
        %get3A_336 = arith.index_cast %mul3A_333 : i32 to index
        %get3A_337 = tpu.vector_load %arg8[%get3A_335, %get3A_336] {strides = array<i32>} : memref<8x1024xf32, #tpu.memory_space<vmem>>, vector<1x16xf32>,
        %get3A_338 = vector.shape_cast %get3A_337 : vector<1x16xf32> to vector<16xf32>
        %mul3A_339 = arith.constant 16 : i32
        %mul3A_340 = arith.muli %scan3A_172, %mul3A_339 : i32
        %get3A_341 = arith.constant 7 : i32
        %get3A_342 = arith.index_cast %get3A_341 : i32 to index
        %get3A_343 = arith.index_cast %mul3A_340 : i32 to index
        %get3A_344 = tpu.vector_load %arg7[%get3A_342, %get3A_343] {strides = array<i32>} : memref<8x1024xf32, #tpu.memory_space<vmem>>, vector<1x16xf32>,
        %get3A_345 = vector.shape_cast %get3A_344 : vector<1x16xf32> to vector<16xf32>
        %add3A_346 = arith.addf %get3A_338, %get3A_345 : vector<16xf32>
        %mul3A_347 = arith.constant 16 : i32
        %mul3A_348 = arith.muli %scan3A_172, %mul3A_347 : i32
        %swap3A_349 = arith.constant 7 : i32
        %swap3A_350 = arith.index_cast %swap3A_349 : i32 to index
        %swap3A_351 = arith.index_cast %mul3A_348 : i32 to index
        %swap3A_352 = tpu.vector_load %arg8[%swap3A_350, %swap3A_351] {strides = array<i32>} : memref<8x1024xf32, #tpu.memory_space<vmem>>, vector<1x16xf32>,
        %swap3A_353 = vector.shape_cast %swap3A_352 : vector<1x16xf32> to vector<16xf32>
        %swap3A_354 = vector.shape_cast %add3A_346 : vector<16xf32> to vector<1x16xf32>
        tpu.vector_store %arg8[%swap3A_350, %swap3A_351], %swap3A_354 {strides = array<i32>} : memref<8x1024xf32, #tpu.memory_space<vmem>>, vector<1x16xf32>,
      }
      %scan3A_46 = arith.constant 64 : i32
      %mul3A_47 = arith.constant 256 : i32
      %mul3A_48 = arith.muli %add3A_35, %mul3A_47 : i32
      %add3A_49 = arith.addi %mul3A_48, %mul3A_2 : i32
      %dma_start3A_50 = arith.constant 0 : i32
      %dma_start3A_51 = tpu.memref_slice %arg5[%add3A_49, %dma_start3A_50] : memref<16384x1024xf32, #tpu.memory_space<hbm>> -> memref<8x1024xf32, #tpu.memory_space<hbm>>
      %dma_start3A_52 = arith.constant 0 : i32
      %dma_start3A_53 = tpu.memref_slice %arg5[%add3A_49, %dma_start3A_52] : memref<16384x1024xf32, #tpu.memory_space<hbm>> -> memref<8x1024xf32, #tpu.memory_space<hbm>>
      tpu.enqueue_dma source(%arg8 : memref<8x1024xf32, #tpu.memory_space<vmem>>) target(%dma_start3A_53 : memref<8x1024xf32, #tpu.memory_space<hbm>>) target_semaphore(%arg16 : memref<!tpu.dma_semaphore, #tpu.memory_space<semaphore_mem>>)
      %dma_wait3A_54 = arith.constant 0 : i32
      %dma_wait3A_55 = arith.constant 0 : i32
      %dma_wait3A_56 = tpu.memref_slice %arg5[%dma_wait3A_54, %dma_wait3A_55] : memref<16384x1024xf32, #tpu.memory_space<hbm>> -> memref<8x1024xf32, #tpu.memory_space<hbm>>
      %dma_wait3A_57 = arith.constant 0 : i32
      %dma_wait3A_58 = arith.constant 0 : i32
      %dma_wait3A_59 = tpu.memref_slice %arg5[%dma_wait3A_57, %dma_wait3A_58] : memref<16384x1024xf32, #tpu.memory_space<hbm>> -> memref<8x1024xf32, #tpu.memory_space<hbm>>
      tpu.wait_dma2 semaphore(%arg16 : memref<!tpu.dma_semaphore, #tpu.memory_space<semaphore_mem>>) src(%arg8 : memref<8x1024xf32, #tpu.memory_space<vmem>>) dst(%dma_wait3A_59 : memref<8x1024xf32, #tpu.memory_space<hbm>>)
      %add3A_60 = arith.constant 4 : i32
      %add3A_61 = arith.addi %add3A_35, %add3A_60 : i32
      %lt3A = arith.constant 64 : i32
      %lt3A_62 = arith.cmpi slt, %add3A_61, %lt3A : i32
      %convert_element_type3A = arith.extui %lt3A_62 : i1 to i32
      %cond3A = arith.constant 0 : i32
      %cond3A_63 = arith.cmpi ne, %convert_element_type3A, %cond3A : i32
      scf.if %cond3A_63 {
        %add3A_172 = arith.constant 4 : i32
        %add3A_173 = arith.addi %add3A_35, %add3A_172 : i32
        %mul3A_174 = arith.constant 256 : i32
        %mul3A_175 = arith.muli %add3A_173, %mul3A_174 : i32
        %add3A_176 = arith.addi %mul3A_175, %mul3A_2 : i32
        %dma_start3A_177 = tpu.memref_slice %arg6[%add3A_176] : memref<16384xi32, #tpu.memory_space<vmem>> -> memref<8xi32, #tpu.memory_space<vmem>>
        %dma_start3A_178 = arith.constant 0 : i32
        %dma_start3A_179 = arith.constant 0 : i32
        %dma_start3A_180 = tpu.memref_slice %arg3[%dma_start3A_178, %dma_start3A_179] : memref<8194x1024xf32, #tpu.memory_space<hbm>> -> memref<8194x1024xf32, #tpu.memory_space<hbm>>
        tpu.enqueue_indirect_dma source(%dma_start3A_180 : memref<8194x1024xf32, #tpu.memory_space<hbm>>) target(%arg8 : memref<8x1024xf32, #tpu.memory_space<vmem>>) offsets(%dma_start3A_177 : memref<8xi32, #tpu.memory_space<vmem>>) semaphore(%arg12 : memref<!tpu.dma_semaphore, #tpu.memory_space<semaphore_mem>>)
      } else {
      }
      %mul3A_64 = arith.constant 4 : i32
      %mul3A_65 = arith.muli %scan3A_31, %mul3A_64 : i32
      %add3A_66 = arith.constant 1 : i32
      %add3A_67 = arith.addi %mul3A_65, %add3A_66 : i32
      %dma_wait3A_68 = arith.constant 0 : i32
      %dma_wait3A_69 = arith.constant 0 : i32
      %dma_wait3A_70 = tpu.memref_slice %arg3[%dma_wait3A_68, %dma_wait3A_69] : memref<8194x1024xf32, #tpu.memory_space<hbm>> -> memref<8x1024xf32, #tpu.memory_space<hbm>>
      %dma_wait3A_71 = arith.constant 0 : i32
      %dma_wait3A_72 = arith.constant 0 : i32
      %dma_wait3A_73 = tpu.memref_slice %arg3[%dma_wait3A_71, %dma_wait3A_72] : memref<8194x1024xf32, #tpu.memory_space<hbm>> -> memref<8x1024xf32, #tpu.memory_space<hbm>>
      tpu.wait_dma2 semaphore(%arg13 : memref<!tpu.dma_semaphore, #tpu.memory_space<semaphore_mem>>) src(%dma_wait3A_73 : memref<8x1024xf32, #tpu.memory_space<hbm>>) dst(%arg9 : memref<8x1024xf32, #tpu.memory_space<vmem>>)
      %scan3A_74 = arith.constant 0 : i32
      %scan3A_75 = arith.constant 0 : i32
      %scan3A_76 = arith.constant 64 : i32
      %scan3A_77 = arith.addi %scan3A_75, %scan3A_76 : i32
      %scan3A_78 = arith.constant 1 : i32
      scf.for %scan3A_172 = %scan3A_75 to %scan3A_77 step %scan3A_78  : i32 {
        %mul3A_173 = arith.constant 16 : i32
        %mul3A_174 = arith.muli %scan3A_172, %mul3A_173 : i32
        %get3A = arith.constant 0 : i32
        %get3A_175 = arith.index_cast %get3A : i32 to index
        %get3A_176 = arith.index_cast %mul3A_174 : i32 to index
        %get3A_177 = tpu.vector_load %arg9[%get3A_175, %get3A_176] {strides = array<i32>} : memref<8x1024xf32, #tpu.memory_space<vmem>>, vector<1x16xf32>,
        %get3A_178 = vector.shape_cast %get3A_177 : vector<1x16xf32> to vector<16xf32>
        %mul3A_179 = arith.constant 16 : i32
        %mul3A_180 = arith.muli %scan3A_172, %mul3A_179 : i32
        %get3A_181 = arith.constant 0 : i32
        %get3A_182 = arith.index_cast %get3A_181 : i32 to index
        %get3A_183 = arith.index_cast %mul3A_180 : i32 to index
        %get3A_184 = tpu.vector_load %arg7[%get3A_182, %get3A_183] {strides = array<i32>} : memref<8x1024xf32, #tpu.memory_space<vmem>>, vector<1x16xf32>,
        %get3A_185 = vector.shape_cast %get3A_184 : vector<1x16xf32> to vector<16xf32>
        %add3A_186 = arith.addf %get3A_178, %get3A_185 : vector<16xf32>
        %mul3A_187 = arith.constant 16 : i32
        %mul3A_188 = arith.muli %scan3A_172, %mul3A_187 : i32
        %swap3A = arith.constant 0 : i32
        %swap3A_189 = arith.index_cast %swap3A : i32 to index
        %swap3A_190 = arith.index_cast %mul3A_188 : i32 to index
        %swap3A_191 = tpu.vector_load %arg9[%swap3A_189, %swap3A_190] {strides = array<i32>} : memref<8x1024xf32, #tpu.memory_space<vmem>>, vector<1x16xf32>,
        %swap3A_192 = vector.shape_cast %swap3A_191 : vector<1x16xf32> to vector<16xf32>
        %swap3A_193 = vector.shape_cast %add3A_186 : vector<16xf32> to vector<1x16xf32>
        tpu.vector_store %arg9[%swap3A_189, %swap3A_190], %swap3A_193 {strides = array<i32>} : memref<8x1024xf32, #tpu.memory_space<vmem>>, vector<1x16xf32>,
        %mul3A_194 = arith.constant 16 : i32
        %mul3A_195 = arith.muli %scan3A_172, %mul3A_194 : i32
        %get3A_196 = arith.constant 1 : i32
        %get3A_197 = arith.index_cast %get3A_196 : i32 to index
        %get3A_198 = arith.index_cast %mul3A_195 : i32 to index
        %get3A_199 = tpu.vector_load %arg9[%get3A_197, %get3A_198] {strides = array<i32>} : memref<8x1024xf32, #tpu.memory_space<vmem>>, vector<1x16xf32>,
        %get3A_200 = vector.shape_cast %get3A_199 : vector<1x16xf32> to vector<16xf32>
        %mul3A_201 = arith.constant 16 : i32
        %mul3A_202 = arith.muli %scan3A_172, %mul3A_201 : i32
        %get3A_203 = arith.constant 1 : i32
        %get3A_204 = arith.index_cast %get3A_203 : i32 to index
        %get3A_205 = arith.index_cast %mul3A_202 : i32 to index
        %get3A_206 = tpu.vector_load %arg7[%get3A_204, %get3A_205] {strides = array<i32>} : memref<8x1024xf32, #tpu.memory_space<vmem>>, vector<1x16xf32>,
        %get3A_207 = vector.shape_cast %get3A_206 : vector<1x16xf32> to vector<16xf32>
        %add3A_208 = arith.addf %get3A_200, %get3A_207 : vector<16xf32>
        %mul3A_209 = arith.constant 16 : i32
        %mul3A_210 = arith.muli %scan3A_172, %mul3A_209 : i32
        %swap3A_211 = arith.constant 1 : i32
        %swap3A_212 = arith.index_cast %swap3A_211 : i32 to index
        %swap3A_213 = arith.index_cast %mul3A_210 : i32 to index
        %swap3A_214 = tpu.vector_load %arg9[%swap3A_212, %swap3A_213] {strides = array<i32>} : memref<8x1024xf32, #tpu.memory_space<vmem>>, vector<1x16xf32>,
        %swap3A_215 = vector.shape_cast %swap3A_214 : vector<1x16xf32> to vector<16xf32>
        %swap3A_216 = vector.shape_cast %add3A_208 : vector<16xf32> to vector<1x16xf32>
        tpu.vector_store %arg9[%swap3A_212, %swap3A_213], %swap3A_216 {strides = array<i32>} : memref<8x1024xf32, #tpu.memory_space<vmem>>, vector<1x16xf32>,
        %mul3A_217 = arith.constant 16 : i32
        %mul3A_218 = arith.muli %scan3A_172, %mul3A_217 : i32
        %get3A_219 = arith.constant 2 : i32
        %get3A_220 = arith.index_cast %get3A_219 : i32 to index
        %get3A_221 = arith.index_cast %mul3A_218 : i32 to index
        %get3A_222 = tpu.vector_load %arg9[%get3A_220, %get3A_221] {strides = array<i32>} : memref<8x1024xf32, #tpu.memory_space<vmem>>, vector<1x16xf32>,
        %get3A_223 = vector.shape_cast %get3A_222 : vector<1x16xf32> to vector<16xf32>
        %mul3A_224 = arith.constant 16 : i32
        %mul3A_225 = arith.muli %scan3A_172, %mul3A_224 : i32
        %get3A_226 = arith.constant 2 : i32
        %get3A_227 = arith.index_cast %get3A_226 : i32 to index
        %get3A_228 = arith.index_cast %mul3A_225 : i32 to index
        %get3A_229 = tpu.vector_load %arg7[%get3A_227, %get3A_228] {strides = array<i32>} : memref<8x1024xf32, #tpu.memory_space<vmem>>, vector<1x16xf32>,
        %get3A_230 = vector.shape_cast %get3A_229 : vector<1x16xf32> to vector<16xf32>
        %add3A_231 = arith.addf %get3A_223, %get3A_230 : vector<16xf32>
        %mul3A_232 = arith.constant 16 : i32
        %mul3A_233 = arith.muli %scan3A_172, %mul3A_232 : i32
        %swap3A_234 = arith.constant 2 : i32
        %swap3A_235 = arith.index_cast %swap3A_234 : i32 to index
        %swap3A_236 = arith.index_cast %mul3A_233 : i32 to index
        %swap3A_237 = tpu.vector_load %arg9[%swap3A_235, %swap3A_236] {strides = array<i32>} : memref<8x1024xf32, #tpu.memory_space<vmem>>, vector<1x16xf32>,
        %swap3A_238 = vector.shape_cast %swap3A_237 : vector<1x16xf32> to vector<16xf32>
        %swap3A_239 = vector.shape_cast %add3A_231 : vector<16xf32> to vector<1x16xf32>
        tpu.vector_store %arg9[%swap3A_235, %swap3A_236], %swap3A_239 {strides = array<i32>} : memref<8x1024xf32, #tpu.memory_space<vmem>>, vector<1x16xf32>,
        %mul3A_240 = arith.constant 16 : i32
        %mul3A_241 = arith.muli %scan3A_172, %mul3A_240 : i32
        %get3A_242 = arith.constant 3 : i32
        %get3A_243 = arith.index_cast %get3A_242 : i32 to index
        %get3A_244 = arith.index_cast %mul3A_241 : i32 to index
        %get3A_245 = tpu.vector_load %arg9[%get3A_243, %get3A_244] {strides = array<i32>} : memref<8x1024xf32, #tpu.memory_space<vmem>>, vector<1x16xf32>,
        %get3A_246 = vector.shape_cast %get3A_245 : vector<1x16xf32> to vector<16xf32>
        %mul3A_247 = arith.constant 16 : i32
        %mul3A_248 = arith.muli %scan3A_172, %mul3A_247 : i32
        %get3A_249 = arith.constant 3 : i32
        %get3A_250 = arith.index_cast %get3A_249 : i32 to index
        %get3A_251 = arith.index_cast %mul3A_248 : i32 to index
        %get3A_252 = tpu.vector_load %arg7[%get3A_250, %get3A_251] {strides = array<i32>} : memref<8x1024xf32, #tpu.memory_space<vmem>>, vector<1x16xf32>,
        %get3A_253 = vector.shape_cast %get3A_252 : vector<1x16xf32> to vector<16xf32>
        %add3A_254 = arith.addf %get3A_246, %get3A_253 : vector<16xf32>
        %mul3A_255 = arith.constant 16 : i32
        %mul3A_256 = arith.muli %scan3A_172, %mul3A_255 : i32
        %swap3A_257 = arith.constant 3 : i32
        %swap3A_258 = arith.index_cast %swap3A_257 : i32 to index
        %swap3A_259 = arith.index_cast %mul3A_256 : i32 to index
        %swap3A_260 = tpu.vector_load %arg9[%swap3A_258, %swap3A_259] {strides = array<i32>} : memref<8x1024xf32, #tpu.memory_space<vmem>>, vector<1x16xf32>,
        %swap3A_261 = vector.shape_cast %swap3A_260 : vector<1x16xf32> to vector<16xf32>
        %swap3A_262 = vector.shape_cast %add3A_254 : vector<16xf32> to vector<1x16xf32>
        tpu.vector_store %arg9[%swap3A_258, %swap3A_259], %swap3A_262 {strides = array<i32>} : memref<8x1024xf32, #tpu.memory_space<vmem>>, vector<1x16xf32>,
        %mul3A_263 = arith.constant 16 : i32
        %mul3A_264 = arith.muli %scan3A_172, %mul3A_263 : i32
        %get3A_265 = arith.constant 4 : i32
        %get3A_266 = arith.index_cast %get3A_265 : i32 to index
        %get3A_267 = arith.index_cast %mul3A_264 : i32 to index
        %get3A_268 = tpu.vector_load %arg9[%get3A_266, %get3A_267] {strides = array<i32>} : memref<8x1024xf32, #tpu.memory_space<vmem>>, vector<1x16xf32>,
        %get3A_269 = vector.shape_cast %get3A_268 : vector<1x16xf32> to vector<16xf32>
        %mul3A_270 = arith.constant 16 : i32
        %mul3A_271 = arith.muli %scan3A_172, %mul3A_270 : i32
        %get3A_272 = arith.constant 4 : i32
        %get3A_273 = arith.index_cast %get3A_272 : i32 to index
        %get3A_274 = arith.index_cast %mul3A_271 : i32 to index
        %get3A_275 = tpu.vector_load %arg7[%get3A_273, %get3A_274] {strides = array<i32>} : memref<8x1024xf32, #tpu.memory_space<vmem>>, vector<1x16xf32>,
        %get3A_276 = vector.shape_cast %get3A_275 : vector<1x16xf32> to vector<16xf32>
        %add3A_277 = arith.addf %get3A_269, %get3A_276 : vector<16xf32>
        %mul3A_278 = arith.constant 16 : i32
        %mul3A_279 = arith.muli %scan3A_172, %mul3A_278 : i32
        %swap3A_280 = arith.constant 4 : i32
        %swap3A_281 = arith.index_cast %swap3A_280 : i32 to index
        %swap3A_282 = arith.index_cast %mul3A_279 : i32 to index
        %swap3A_283 = tpu.vector_load %arg9[%swap3A_281, %swap3A_282] {strides = array<i32>} : memref<8x1024xf32, #tpu.memory_space<vmem>>, vector<1x16xf32>,
        %swap3A_284 = vector.shape_cast %swap3A_283 : vector<1x16xf32> to vector<16xf32>
        %swap3A_285 = vector.shape_cast %add3A_277 : vector<16xf32> to vector<1x16xf32>
        tpu.vector_store %arg9[%swap3A_281, %swap3A_282], %swap3A_285 {strides = array<i32>} : memref<8x1024xf32, #tpu.memory_space<vmem>>, vector<1x16xf32>,
        %mul3A_286 = arith.constant 16 : i32
        %mul3A_287 = arith.muli %scan3A_172, %mul3A_286 : i32
        %get3A_288 = arith.constant 5 : i32
        %get3A_289 = arith.index_cast %get3A_288 : i32 to index
        %get3A_290 = arith.index_cast %mul3A_287 : i32 to index
        %get3A_291 = tpu.vector_load %arg9[%get3A_289, %get3A_290] {strides = array<i32>} : memref<8x1024xf32, #tpu.memory_space<vmem>>, vector<1x16xf32>,
        %get3A_292 = vector.shape_cast %get3A_291 : vector<1x16xf32> to vector<16xf32>
        %mul3A_293 = arith.constant 16 : i32
        %mul3A_294 = arith.muli %scan3A_172, %mul3A_293 : i32
        %get3A_295 = arith.constant 5 : i32
        %get3A_296 = arith.index_cast %get3A_295 : i32 to index
        %get3A_297 = arith.index_cast %mul3A_294 : i32 to index
        %get3A_298 = tpu.vector_load %arg7[%get3A_296, %get3A_297] {strides = array<i32>} : memref<8x1024xf32, #tpu.memory_space<vmem>>, vector<1x16xf32>,
        %get3A_299 = vector.shape_cast %get3A_298 : vector<1x16xf32> to vector<16xf32>
        %add3A_300 = arith.addf %get3A_292, %get3A_299 : vector<16xf32>
        %mul3A_301 = arith.constant 16 : i32
        %mul3A_302 = arith.muli %scan3A_172, %mul3A_301 : i32
        %swap3A_303 = arith.constant 5 : i32
        %swap3A_304 = arith.index_cast %swap3A_303 : i32 to index
        %swap3A_305 = arith.index_cast %mul3A_302 : i32 to index
        %swap3A_306 = tpu.vector_load %arg9[%swap3A_304, %swap3A_305] {strides = array<i32>} : memref<8x1024xf32, #tpu.memory_space<vmem>>, vector<1x16xf32>,
        %swap3A_307 = vector.shape_cast %swap3A_306 : vector<1x16xf32> to vector<16xf32>
        %swap3A_308 = vector.shape_cast %add3A_300 : vector<16xf32> to vector<1x16xf32>
        tpu.vector_store %arg9[%swap3A_304, %swap3A_305], %swap3A_308 {strides = array<i32>} : memref<8x1024xf32, #tpu.memory_space<vmem>>, vector<1x16xf32>,
        %mul3A_309 = arith.constant 16 : i32
        %mul3A_310 = arith.muli %scan3A_172, %mul3A_309 : i32
        %get3A_311 = arith.constant 6 : i32
        %get3A_312 = arith.index_cast %get3A_311 : i32 to index
        %get3A_313 = arith.index_cast %mul3A_310 : i32 to index
        %get3A_314 = tpu.vector_load %arg9[%get3A_312, %get3A_313] {strides = array<i32>} : memref<8x1024xf32, #tpu.memory_space<vmem>>, vector<1x16xf32>,
        %get3A_315 = vector.shape_cast %get3A_314 : vector<1x16xf32> to vector<16xf32>
        %mul3A_316 = arith.constant 16 : i32
        %mul3A_317 = arith.muli %scan3A_172, %mul3A_316 : i32
        %get3A_318 = arith.constant 6 : i32
        %get3A_319 = arith.index_cast %get3A_318 : i32 to index
        %get3A_320 = arith.index_cast %mul3A_317 : i32 to index
        %get3A_321 = tpu.vector_load %arg7[%get3A_319, %get3A_320] {strides = array<i32>} : memref<8x1024xf32, #tpu.memory_space<vmem>>, vector<1x16xf32>,
        %get3A_322 = vector.shape_cast %get3A_321 : vector<1x16xf32> to vector<16xf32>
        %add3A_323 = arith.addf %get3A_315, %get3A_322 : vector<16xf32>
        %mul3A_324 = arith.constant 16 : i32
        %mul3A_325 = arith.muli %scan3A_172, %mul3A_324 : i32
        %swap3A_326 = arith.constant 6 : i32
        %swap3A_327 = arith.index_cast %swap3A_326 : i32 to index
        %swap3A_328 = arith.index_cast %mul3A_325 : i32 to index
        %swap3A_329 = tpu.vector_load %arg9[%swap3A_327, %swap3A_328] {strides = array<i32>} : memref<8x1024xf32, #tpu.memory_space<vmem>>, vector<1x16xf32>,
        %swap3A_330 = vector.shape_cast %swap3A_329 : vector<1x16xf32> to vector<16xf32>
        %swap3A_331 = vector.shape_cast %add3A_323 : vector<16xf32> to vector<1x16xf32>
        tpu.vector_store %arg9[%swap3A_327, %swap3A_328], %swap3A_331 {strides = array<i32>} : memref<8x1024xf32, #tpu.memory_space<vmem>>, vector<1x16xf32>,
        %mul3A_332 = arith.constant 16 : i32
        %mul3A_333 = arith.muli %scan3A_172, %mul3A_332 : i32
        %get3A_334 = arith.constant 7 : i32
        %get3A_335 = arith.index_cast %get3A_334 : i32 to index
        %get3A_336 = arith.index_cast %mul3A_333 : i32 to index
        %get3A_337 = tpu.vector_load %arg9[%get3A_335, %get3A_336] {strides = array<i32>} : memref<8x1024xf32, #tpu.memory_space<vmem>>, vector<1x16xf32>,
        %get3A_338 = vector.shape_cast %get3A_337 : vector<1x16xf32> to vector<16xf32>
        %mul3A_339 = arith.constant 16 : i32
        %mul3A_340 = arith.muli %scan3A_172, %mul3A_339 : i32
        %get3A_341 = arith.constant 7 : i32
        %get3A_342 = arith.index_cast %get3A_341 : i32 to index
        %get3A_343 = arith.index_cast %mul3A_340 : i32 to index
        %get3A_344 = tpu.vector_load %arg7[%get3A_342, %get3A_343] {strides = array<i32>} : memref<8x1024xf32, #tpu.memory_space<vmem>>, vector<1x16xf32>,
        %get3A_345 = vector.shape_cast %get3A_344 : vector<1x16xf32> to vector<16xf32>
        %add3A_346 = arith.addf %get3A_338, %get3A_345 : vector<16xf32>
        %mul3A_347 = arith.constant 16 : i32
        %mul3A_348 = arith.muli %scan3A_172, %mul3A_347 : i32
        %swap3A_349 = arith.constant 7 : i32
        %swap3A_350 = arith.index_cast %swap3A_349 : i32 to index
        %swap3A_351 = arith.index_cast %mul3A_348 : i32 to index
        %swap3A_352 = tpu.vector_load %arg9[%swap3A_350, %swap3A_351] {strides = array<i32>} : memref<8x1024xf32, #tpu.memory_space<vmem>>, vector<1x16xf32>,
        %swap3A_353 = vector.shape_cast %swap3A_352 : vector<1x16xf32> to vector<16xf32>
        %swap3A_354 = vector.shape_cast %add3A_346 : vector<16xf32> to vector<1x16xf32>
        tpu.vector_store %arg9[%swap3A_350, %swap3A_351], %swap3A_354 {strides = array<i32>} : memref<8x1024xf32, #tpu.memory_space<vmem>>, vector<1x16xf32>,
      }
      %scan3A_79 = arith.constant 64 : i32
      %mul3A_80 = arith.constant 256 : i32
      %mul3A_81 = arith.muli %add3A_67, %mul3A_80 : i32
      %add3A_82 = arith.addi %mul3A_81, %mul3A_2 : i32
      %dma_start3A_83 = arith.constant 0 : i32
      %dma_start3A_84 = tpu.memref_slice %arg5[%add3A_82, %dma_start3A_83] : memref<16384x1024xf32, #tpu.memory_space<hbm>> -> memref<8x1024xf32, #tpu.memory_space<hbm>>
      %dma_start3A_85 = arith.constant 0 : i32
      %dma_start3A_86 = tpu.memref_slice %arg5[%add3A_82, %dma_start3A_85] : memref<16384x1024xf32, #tpu.memory_space<hbm>> -> memref<8x1024xf32, #tpu.memory_space<hbm>>
      tpu.enqueue_dma source(%arg9 : memref<8x1024xf32, #tpu.memory_space<vmem>>) target(%dma_start3A_86 : memref<8x1024xf32, #tpu.memory_space<hbm>>) target_semaphore(%arg17 : memref<!tpu.dma_semaphore, #tpu.memory_space<semaphore_mem>>)
      %dma_wait3A_87 = arith.constant 0 : i32
      %dma_wait3A_88 = arith.constant 0 : i32
      %dma_wait3A_89 = tpu.memref_slice %arg5[%dma_wait3A_87, %dma_wait3A_88] : memref<16384x1024xf32, #tpu.memory_space<hbm>> -> memref<8x1024xf32, #tpu.memory_space<hbm>>
      %dma_wait3A_90 = arith.constant 0 : i32
      %dma_wait3A_91 = arith.constant 0 : i32
      %dma_wait3A_92 = tpu.memref_slice %arg5[%dma_wait3A_90, %dma_wait3A_91] : memref<16384x1024xf32, #tpu.memory_space<hbm>> -> memref<8x1024xf32, #tpu.memory_space<hbm>>
      tpu.wait_dma2 semaphore(%arg17 : memref<!tpu.dma_semaphore, #tpu.memory_space<semaphore_mem>>) src(%arg9 : memref<8x1024xf32, #tpu.memory_space<vmem>>) dst(%dma_wait3A_92 : memref<8x1024xf32, #tpu.memory_space<hbm>>)
      %add3A_93 = arith.constant 4 : i32
      %add3A_94 = arith.addi %add3A_67, %add3A_93 : i32
      %lt3A_95 = arith.constant 64 : i32
      %lt3A_96 = arith.cmpi slt, %add3A_94, %lt3A_95 : i32
      %convert_element_type3A_97 = arith.extui %lt3A_96 : i1 to i32
      %cond3A_98 = arith.constant 0 : i32
      %cond3A_99 = arith.cmpi ne, %convert_element_type3A_97, %cond3A_98 : i32
      scf.if %cond3A_99 {
        %add3A_172 = arith.constant 4 : i32
        %add3A_173 = arith.addi %add3A_67, %add3A_172 : i32
        %mul3A_174 = arith.constant 256 : i32
        %mul3A_175 = arith.muli %add3A_173, %mul3A_174 : i32
        %add3A_176 = arith.addi %mul3A_175, %mul3A_2 : i32
        %dma_start3A_177 = tpu.memref_slice %arg6[%add3A_176] : memref<16384xi32, #tpu.memory_space<vmem>> -> memref<8xi32, #tpu.memory_space<vmem>>
        %dma_start3A_178 = arith.constant 0 : i32
        %dma_start3A_179 = arith.constant 0 : i32
        %dma_start3A_180 = tpu.memref_slice %arg3[%dma_start3A_178, %dma_start3A_179] : memref<8194x1024xf32, #tpu.memory_space<hbm>> -> memref<8194x1024xf32, #tpu.memory_space<hbm>>
        tpu.enqueue_indirect_dma source(%dma_start3A_180 : memref<8194x1024xf32, #tpu.memory_space<hbm>>) target(%arg9 : memref<8x1024xf32, #tpu.memory_space<vmem>>) offsets(%dma_start3A_177 : memref<8xi32, #tpu.memory_space<vmem>>) semaphore(%arg13 : memref<!tpu.dma_semaphore, #tpu.memory_space<semaphore_mem>>)
      } else {
      }
      %mul3A_100 = arith.constant 4 : i32
      %mul3A_101 = arith.muli %scan3A_31, %mul3A_100 : i32
      %add3A_102 = arith.constant 2 : i32
      %add3A_103 = arith.addi %mul3A_101, %add3A_102 : i32
      %dma_wait3A_104 = arith.constant 0 : i32
      %dma_wait3A_105 = arith.constant 0 : i32
      %dma_wait3A_106 = tpu.memref_slice %arg3[%dma_wait3A_104, %dma_wait3A_105] : memref<8194x1024xf32, #tpu.memory_space<hbm>> -> memref<8x1024xf32, #tpu.memory_space<hbm>>
      %dma_wait3A_107 = arith.constant 0 : i32
      %dma_wait3A_108 = arith.constant 0 : i32
      %dma_wait3A_109 = tpu.memref_slice %arg3[%dma_wait3A_107, %dma_wait3A_108] : memref<8194x1024xf32, #tpu.memory_space<hbm>> -> memref<8x1024xf32, #tpu.memory_space<hbm>>
      tpu.wait_dma2 semaphore(%arg14 : memref<!tpu.dma_semaphore, #tpu.memory_space<semaphore_mem>>) src(%dma_wait3A_109 : memref<8x1024xf32, #tpu.memory_space<hbm>>) dst(%arg10 : memref<8x1024xf32, #tpu.memory_space<vmem>>)
      %scan3A_110 = arith.constant 0 : i32
      %scan3A_111 = arith.constant 0 : i32
      %scan3A_112 = arith.constant 64 : i32
      %scan3A_113 = arith.addi %scan3A_111, %scan3A_112 : i32
      %scan3A_114 = arith.constant 1 : i32
      scf.for %scan3A_172 = %scan3A_111 to %scan3A_113 step %scan3A_114  : i32 {
        %mul3A_173 = arith.constant 16 : i32
        %mul3A_174 = arith.muli %scan3A_172, %mul3A_173 : i32
        %get3A = arith.constant 0 : i32
        %get3A_175 = arith.index_cast %get3A : i32 to index
        %get3A_176 = arith.index_cast %mul3A_174 : i32 to index
        %get3A_177 = tpu.vector_load %arg10[%get3A_175, %get3A_176] {strides = array<i32>} : memref<8x1024xf32, #tpu.memory_space<vmem>>, vector<1x16xf32>,
        %get3A_178 = vector.shape_cast %get3A_177 : vector<1x16xf32> to vector<16xf32>
        %mul3A_179 = arith.constant 16 : i32
        %mul3A_180 = arith.muli %scan3A_172, %mul3A_179 : i32
        %get3A_181 = arith.constant 0 : i32
        %get3A_182 = arith.index_cast %get3A_181 : i32 to index
        %get3A_183 = arith.index_cast %mul3A_180 : i32 to index
        %get3A_184 = tpu.vector_load %arg7[%get3A_182, %get3A_183] {strides = array<i32>} : memref<8x1024xf32, #tpu.memory_space<vmem>>, vector<1x16xf32>,
        %get3A_185 = vector.shape_cast %get3A_184 : vector<1x16xf32> to vector<16xf32>
        %add3A_186 = arith.addf %get3A_178, %get3A_185 : vector<16xf32>
        %mul3A_187 = arith.constant 16 : i32
        %mul3A_188 = arith.muli %scan3A_172, %mul3A_187 : i32
        %swap3A = arith.constant 0 : i32
        %swap3A_189 = arith.index_cast %swap3A : i32 to index
        %swap3A_190 = arith.index_cast %mul3A_188 : i32 to index
        %swap3A_191 = tpu.vector_load %arg10[%swap3A_189, %swap3A_190] {strides = array<i32>} : memref<8x1024xf32, #tpu.memory_space<vmem>>, vector<1x16xf32>,
        %swap3A_192 = vector.shape_cast %swap3A_191 : vector<1x16xf32> to vector<16xf32>
        %swap3A_193 = vector.shape_cast %add3A_186 : vector<16xf32> to vector<1x16xf32>
        tpu.vector_store %arg10[%swap3A_189, %swap3A_190], %swap3A_193 {strides = array<i32>} : memref<8x1024xf32, #tpu.memory_space<vmem>>, vector<1x16xf32>,
        %mul3A_194 = arith.constant 16 : i32
        %mul3A_195 = arith.muli %scan3A_172, %mul3A_194 : i32
        %get3A_196 = arith.constant 1 : i32
        %get3A_197 = arith.index_cast %get3A_196 : i32 to index
        %get3A_198 = arith.index_cast %mul3A_195 : i32 to index
        %get3A_199 = tpu.vector_load %arg10[%get3A_197, %get3A_198] {strides = array<i32>} : memref<8x1024xf32, #tpu.memory_space<vmem>>, vector<1x16xf32>,
        %get3A_200 = vector.shape_cast %get3A_199 : vector<1x16xf32> to vector<16xf32>
        %mul3A_201 = arith.constant 16 : i32
        %mul3A_202 = arith.muli %scan3A_172, %mul3A_201 : i32
        %get3A_203 = arith.constant 1 : i32
        %get3A_204 = arith.index_cast %get3A_203 : i32 to index
        %get3A_205 = arith.index_cast %mul3A_202 : i32 to index
        %get3A_206 = tpu.vector_load %arg7[%get3A_204, %get3A_205] {strides = array<i32>} : memref<8x1024xf32, #tpu.memory_space<vmem>>, vector<1x16xf32>,
        %get3A_207 = vector.shape_cast %get3A_206 : vector<1x16xf32> to vector<16xf32>
        %add3A_208 = arith.addf %get3A_200, %get3A_207 : vector<16xf32>
        %mul3A_209 = arith.constant 16 : i32
        %mul3A_210 = arith.muli %scan3A_172, %mul3A_209 : i32
        %swap3A_211 = arith.constant 1 : i32
        %swap3A_212 = arith.index_cast %swap3A_211 : i32 to index
        %swap3A_213 = arith.index_cast %mul3A_210 : i32 to index
        %swap3A_214 = tpu.vector_load %arg10[%swap3A_212, %swap3A_213] {strides = array<i32>} : memref<8x1024xf32, #tpu.memory_space<vmem>>, vector<1x16xf32>,
        %swap3A_215 = vector.shape_cast %swap3A_214 : vector<1x16xf32> to vector<16xf32>
        %swap3A_216 = vector.shape_cast %add3A_208 : vector<16xf32> to vector<1x16xf32>
        tpu.vector_store %arg10[%swap3A_212, %swap3A_213], %swap3A_216 {strides = array<i32>} : memref<8x1024xf32, #tpu.memory_space<vmem>>, vector<1x16xf32>,
        %mul3A_217 = arith.constant 16 : i32
        %mul3A_218 = arith.muli %scan3A_172, %mul3A_217 : i32
        %get3A_219 = arith.constant 2 : i32
        %get3A_220 = arith.index_cast %get3A_219 : i32 to index
        %get3A_221 = arith.index_cast %mul3A_218 : i32 to index
        %get3A_222 = tpu.vector_load %arg10[%get3A_220, %get3A_221] {strides = array<i32>} : memref<8x1024xf32, #tpu.memory_space<vmem>>, vector<1x16xf32>,
        %get3A_223 = vector.shape_cast %get3A_222 : vector<1x16xf32> to vector<16xf32>
        %mul3A_224 = arith.constant 16 : i32
        %mul3A_225 = arith.muli %scan3A_172, %mul3A_224 : i32
        %get3A_226 = arith.constant 2 : i32
        %get3A_227 = arith.index_cast %get3A_226 : i32 to index
        %get3A_228 = arith.index_cast %mul3A_225 : i32 to index
        %get3A_229 = tpu.vector_load %arg7[%get3A_227, %get3A_228] {strides = array<i32>} : memref<8x1024xf32, #tpu.memory_space<vmem>>, vector<1x16xf32>,
        %get3A_230 = vector.shape_cast %get3A_229 : vector<1x16xf32> to vector<16xf32>
        %add3A_231 = arith.addf %get3A_223, %get3A_230 : vector<16xf32>
        %mul3A_232 = arith.constant 16 : i32
        %mul3A_233 = arith.muli %scan3A_172, %mul3A_232 : i32
        %swap3A_234 = arith.constant 2 : i32
        %swap3A_235 = arith.index_cast %swap3A_234 : i32 to index
        %swap3A_236 = arith.index_cast %mul3A_233 : i32 to index
        %swap3A_237 = tpu.vector_load %arg10[%swap3A_235, %swap3A_236] {strides = array<i32>} : memref<8x1024xf32, #tpu.memory_space<vmem>>, vector<1x16xf32>,
        %swap3A_238 = vector.shape_cast %swap3A_237 : vector<1x16xf32> to vector<16xf32>
        %swap3A_239 = vector.shape_cast %add3A_231 : vector<16xf32> to vector<1x16xf32>
        tpu.vector_store %arg10[%swap3A_235, %swap3A_236], %swap3A_239 {strides = array<i32>} : memref<8x1024xf32, #tpu.memory_space<vmem>>, vector<1x16xf32>,
        %mul3A_240 = arith.constant 16 : i32
        %mul3A_241 = arith.muli %scan3A_172, %mul3A_240 : i32
        %get3A_242 = arith.constant 3 : i32
        %get3A_243 = arith.index_cast %get3A_242 : i32 to index
        %get3A_244 = arith.index_cast %mul3A_241 : i32 to index
        %get3A_245 = tpu.vector_load %arg10[%get3A_243, %get3A_244] {strides = array<i32>} : memref<8x1024xf32, #tpu.memory_space<vmem>>, vector<1x16xf32>,
        %get3A_246 = vector.shape_cast %get3A_245 : vector<1x16xf32> to vector<16xf32>
        %mul3A_247 = arith.constant 16 : i32
        %mul3A_248 = arith.muli %scan3A_172, %mul3A_247 : i32
        %get3A_249 = arith.constant 3 : i32
        %get3A_250 = arith.index_cast %get3A_249 : i32 to index
        %get3A_251 = arith.index_cast %mul3A_248 : i32 to index
        %get3A_252 = tpu.vector_load %arg7[%get3A_250, %get3A_251] {strides = array<i32>} : memref<8x1024xf32, #tpu.memory_space<vmem>>, vector<1x16xf32>,
        %get3A_253 = vector.shape_cast %get3A_252 : vector<1x16xf32> to vector<16xf32>
        %add3A_254 = arith.addf %get3A_246, %get3A_253 : vector<16xf32>
        %mul3A_255 = arith.constant 16 : i32
        %mul3A_256 = arith.muli %scan3A_172, %mul3A_255 : i32
        %swap3A_257 = arith.constant 3 : i32
        %swap3A_258 = arith.index_cast %swap3A_257 : i32 to index
        %swap3A_259 = arith.index_cast %mul3A_256 : i32 to index
        %swap3A_260 = tpu.vector_load %arg10[%swap3A_258, %swap3A_259] {strides = array<i32>} : memref<8x1024xf32, #tpu.memory_space<vmem>>, vector<1x16xf32>,
        %swap3A_261 = vector.shape_cast %swap3A_260 : vector<1x16xf32> to vector<16xf32>
        %swap3A_262 = vector.shape_cast %add3A_254 : vector<16xf32> to vector<1x16xf32>
        tpu.vector_store %arg10[%swap3A_258, %swap3A_259], %swap3A_262 {strides = array<i32>} : memref<8x1024xf32, #tpu.memory_space<vmem>>, vector<1x16xf32>,
        %mul3A_263 = arith.constant 16 : i32
        %mul3A_264 = arith.muli %scan3A_172, %mul3A_263 : i32
        %get3A_265 = arith.constant 4 : i32
        %get3A_266 = arith.index_cast %get3A_265 : i32 to index
        %get3A_267 = arith.index_cast %mul3A_264 : i32 to index
        %get3A_268 = tpu.vector_load %arg10[%get3A_266, %get3A_267] {strides = array<i32>} : memref<8x1024xf32, #tpu.memory_space<vmem>>, vector<1x16xf32>,
        %get3A_269 = vector.shape_cast %get3A_268 : vector<1x16xf32> to vector<16xf32>
        %mul3A_270 = arith.constant 16 : i32
        %mul3A_271 = arith.muli %scan3A_172, %mul3A_270 : i32
        %get3A_272 = arith.constant 4 : i32
        %get3A_273 = arith.index_cast %get3A_272 : i32 to index
        %get3A_274 = arith.index_cast %mul3A_271 : i32 to index
        %get3A_275 = tpu.vector_load %arg7[%get3A_273, %get3A_274] {strides = array<i32>} : memref<8x1024xf32, #tpu.memory_space<vmem>>, vector<1x16xf32>,
        %get3A_276 = vector.shape_cast %get3A_275 : vector<1x16xf32> to vector<16xf32>
        %add3A_277 = arith.addf %get3A_269, %get3A_276 : vector<16xf32>
        %mul3A_278 = arith.constant 16 : i32
        %mul3A_279 = arith.muli %scan3A_172, %mul3A_278 : i32
        %swap3A_280 = arith.constant 4 : i32
        %swap3A_281 = arith.index_cast %swap3A_280 : i32 to index
        %swap3A_282 = arith.index_cast %mul3A_279 : i32 to index
        %swap3A_283 = tpu.vector_load %arg10[%swap3A_281, %swap3A_282] {strides = array<i32>} : memref<8x1024xf32, #tpu.memory_space<vmem>>, vector<1x16xf32>,
        %swap3A_284 = vector.shape_cast %swap3A_283 : vector<1x16xf32> to vector<16xf32>
        %swap3A_285 = vector.shape_cast %add3A_277 : vector<16xf32> to vector<1x16xf32>
        tpu.vector_store %arg10[%swap3A_281, %swap3A_282], %swap3A_285 {strides = array<i32>} : memref<8x1024xf32, #tpu.memory_space<vmem>>, vector<1x16xf32>,
        %mul3A_286 = arith.constant 16 : i32
        %mul3A_287 = arith.muli %scan3A_172, %mul3A_286 : i32
        %get3A_288 = arith.constant 5 : i32
        %get3A_289 = arith.index_cast %get3A_288 : i32 to index
        %get3A_290 = arith.index_cast %mul3A_287 : i32 to index
        %get3A_291 = tpu.vector_load %arg10[%get3A_289, %get3A_290] {strides = array<i32>} : memref<8x1024xf32, #tpu.memory_space<vmem>>, vector<1x16xf32>,
        %get3A_292 = vector.shape_cast %get3A_291 : vector<1x16xf32> to vector<16xf32>
        %mul3A_293 = arith.constant 16 : i32
        %mul3A_294 = arith.muli %scan3A_172, %mul3A_293 : i32
        %get3A_295 = arith.constant 5 : i32
        %get3A_296 = arith.index_cast %get3A_295 : i32 to index
        %get3A_297 = arith.index_cast %mul3A_294 : i32 to index
        %get3A_298 = tpu.vector_load %arg7[%get3A_296, %get3A_297] {strides = array<i32>} : memref<8x1024xf32, #tpu.memory_space<vmem>>, vector<1x16xf32>,
        %get3A_299 = vector.shape_cast %get3A_298 : vector<1x16xf32> to vector<16xf32>
        %add3A_300 = arith.addf %get3A_292, %get3A_299 : vector<16xf32>
        %mul3A_301 = arith.constant 16 : i32
        %mul3A_302 = arith.muli %scan3A_172, %mul3A_301 : i32
        %swap3A_303 = arith.constant 5 : i32
        %swap3A_304 = arith.index_cast %swap3A_303 : i32 to index
        %swap3A_305 = arith.index_cast %mul3A_302 : i32 to index
        %swap3A_306 = tpu.vector_load %arg10[%swap3A_304, %swap3A_305] {strides = array<i32>} : memref<8x1024xf32, #tpu.memory_space<vmem>>, vector<1x16xf32>,
        %swap3A_307 = vector.shape_cast %swap3A_306 : vector<1x16xf32> to vector<16xf32>
        %swap3A_308 = vector.shape_cast %add3A_300 : vector<16xf32> to vector<1x16xf32>
        tpu.vector_store %arg10[%swap3A_304, %swap3A_305], %swap3A_308 {strides = array<i32>} : memref<8x1024xf32, #tpu.memory_space<vmem>>, vector<1x16xf32>,
        %mul3A_309 = arith.constant 16 : i32
        %mul3A_310 = arith.muli %scan3A_172, %mul3A_309 : i32
        %get3A_311 = arith.constant 6 : i32
        %get3A_312 = arith.index_cast %get3A_311 : i32 to index
        %get3A_313 = arith.index_cast %mul3A_310 : i32 to index
        %get3A_314 = tpu.vector_load %arg10[%get3A_312, %get3A_313] {strides = array<i32>} : memref<8x1024xf32, #tpu.memory_space<vmem>>, vector<1x16xf32>,
        %get3A_315 = vector.shape_cast %get3A_314 : vector<1x16xf32> to vector<16xf32>
        %mul3A_316 = arith.constant 16 : i32
        %mul3A_317 = arith.muli %scan3A_172, %mul3A_316 : i32
        %get3A_318 = arith.constant 6 : i32
        %get3A_319 = arith.index_cast %get3A_318 : i32 to index
        %get3A_320 = arith.index_cast %mul3A_317 : i32 to index
        %get3A_321 = tpu.vector_load %arg7[%get3A_319, %get3A_320] {strides = array<i32>} : memref<8x1024xf32, #tpu.memory_space<vmem>>, vector<1x16xf32>,
        %get3A_322 = vector.shape_cast %get3A_321 : vector<1x16xf32> to vector<16xf32>
        %add3A_323 = arith.addf %get3A_315, %get3A_322 : vector<16xf32>
        %mul3A_324 = arith.constant 16 : i32
        %mul3A_325 = arith.muli %scan3A_172, %mul3A_324 : i32
        %swap3A_326 = arith.constant 6 : i32
        %swap3A_327 = arith.index_cast %swap3A_326 : i32 to index
        %swap3A_328 = arith.index_cast %mul3A_325 : i32 to index
        %swap3A_329 = tpu.vector_load %arg10[%swap3A_327, %swap3A_328] {strides = array<i32>} : memref<8x1024xf32, #tpu.memory_space<vmem>>, vector<1x16xf32>,
        %swap3A_330 = vector.shape_cast %swap3A_329 : vector<1x16xf32> to vector<16xf32>
        %swap3A_331 = vector.shape_cast %add3A_323 : vector<16xf32> to vector<1x16xf32>
        tpu.vector_store %arg10[%swap3A_327, %swap3A_328], %swap3A_331 {strides = array<i32>} : memref<8x1024xf32, #tpu.memory_space<vmem>>, vector<1x16xf32>,
        %mul3A_332 = arith.constant 16 : i32
        %mul3A_333 = arith.muli %scan3A_172, %mul3A_332 : i32
        %get3A_334 = arith.constant 7 : i32
        %get3A_335 = arith.index_cast %get3A_334 : i32 to index
        %get3A_336 = arith.index_cast %mul3A_333 : i32 to index
        %get3A_337 = tpu.vector_load %arg10[%get3A_335, %get3A_336] {strides = array<i32>} : memref<8x1024xf32, #tpu.memory_space<vmem>>, vector<1x16xf32>,
        %get3A_338 = vector.shape_cast %get3A_337 : vector<1x16xf32> to vector<16xf32>
        %mul3A_339 = arith.constant 16 : i32
        %mul3A_340 = arith.muli %scan3A_172, %mul3A_339 : i32
        %get3A_341 = arith.constant 7 : i32
        %get3A_342 = arith.index_cast %get3A_341 : i32 to index
        %get3A_343 = arith.index_cast %mul3A_340 : i32 to index
        %get3A_344 = tpu.vector_load %arg7[%get3A_342, %get3A_343] {strides = array<i32>} : memref<8x1024xf32, #tpu.memory_space<vmem>>, vector<1x16xf32>,
        %get3A_345 = vector.shape_cast %get3A_344 : vector<1x16xf32> to vector<16xf32>
        %add3A_346 = arith.addf %get3A_338, %get3A_345 : vector<16xf32>
        %mul3A_347 = arith.constant 16 : i32
        %mul3A_348 = arith.muli %scan3A_172, %mul3A_347 : i32
        %swap3A_349 = arith.constant 7 : i32
        %swap3A_350 = arith.index_cast %swap3A_349 : i32 to index
        %swap3A_351 = arith.index_cast %mul3A_348 : i32 to index
        %swap3A_352 = tpu.vector_load %arg10[%swap3A_350, %swap3A_351] {strides = array<i32>} : memref<8x1024xf32, #tpu.memory_space<vmem>>, vector<1x16xf32>,
        %swap3A_353 = vector.shape_cast %swap3A_352 : vector<1x16xf32> to vector<16xf32>
        %swap3A_354 = vector.shape_cast %add3A_346 : vector<16xf32> to vector<1x16xf32>
        tpu.vector_store %arg10[%swap3A_350, %swap3A_351], %swap3A_354 {strides = array<i32>} : memref<8x1024xf32, #tpu.memory_space<vmem>>, vector<1x16xf32>,
      }
      %scan3A_115 = arith.constant 64 : i32
      %mul3A_116 = arith.constant 256 : i32
      %mul3A_117 = arith.muli %add3A_103, %mul3A_116 : i32
      %add3A_118 = arith.addi %mul3A_117, %mul3A_2 : i32
      %dma_start3A_119 = arith.constant 0 : i32
      %dma_start3A_120 = tpu.memref_slice %arg5[%add3A_118, %dma_start3A_119] : memref<16384x1024xf32, #tpu.memory_space<hbm>> -> memref<8x1024xf32, #tpu.memory_space<hbm>>
      %dma_start3A_121 = arith.constant 0 : i32
      %dma_start3A_122 = tpu.memref_slice %arg5[%add3A_118, %dma_start3A_121] : memref<16384x1024xf32, #tpu.memory_space<hbm>> -> memref<8x1024xf32, #tpu.memory_space<hbm>>
      tpu.enqueue_dma source(%arg10 : memref<8x1024xf32, #tpu.memory_space<vmem>>) target(%dma_start3A_122 : memref<8x1024xf32, #tpu.memory_space<hbm>>) target_semaphore(%arg18 : memref<!tpu.dma_semaphore, #tpu.memory_space<semaphore_mem>>)
      %dma_wait3A_123 = arith.constant 0 : i32
      %dma_wait3A_124 = arith.constant 0 : i32
      %dma_wait3A_125 = tpu.memref_slice %arg5[%dma_wait3A_123, %dma_wait3A_124] : memref<16384x1024xf32, #tpu.memory_space<hbm>> -> memref<8x1024xf32, #tpu.memory_space<hbm>>
      %dma_wait3A_126 = arith.constant 0 : i32
      %dma_wait3A_127 = arith.constant 0 : i32
      %dma_wait3A_128 = tpu.memref_slice %arg5[%dma_wait3A_126, %dma_wait3A_127] : memref<16384x1024xf32, #tpu.memory_space<hbm>> -> memref<8x1024xf32, #tpu.memory_space<hbm>>
      tpu.wait_dma2 semaphore(%arg18 : memref<!tpu.dma_semaphore, #tpu.memory_space<semaphore_mem>>) src(%arg10 : memref<8x1024xf32, #tpu.memory_space<vmem>>) dst(%dma_wait3A_128 : memref<8x1024xf32, #tpu.memory_space<hbm>>)
      %add3A_129 = arith.constant 4 : i32
      %add3A_130 = arith.addi %add3A_103, %add3A_129 : i32
      %lt3A_131 = arith.constant 64 : i32
      %lt3A_132 = arith.cmpi slt, %add3A_130, %lt3A_131 : i32
      %convert_element_type3A_133 = arith.extui %lt3A_132 : i1 to i32
      %cond3A_134 = arith.constant 0 : i32
      %cond3A_135 = arith.cmpi ne, %convert_element_type3A_133, %cond3A_134 : i32
      scf.if %cond3A_135 {
        %add3A_172 = arith.constant 4 : i32
        %add3A_173 = arith.addi %add3A_103, %add3A_172 : i32
        %mul3A_174 = arith.constant 256 : i32
        %mul3A_175 = arith.muli %add3A_173, %mul3A_174 : i32
        %add3A_176 = arith.addi %mul3A_175, %mul3A_2 : i32
        %dma_start3A_177 = tpu.memref_slice %arg6[%add3A_176] : memref<16384xi32, #tpu.memory_space<vmem>> -> memref<8xi32, #tpu.memory_space<vmem>>
        %dma_start3A_178 = arith.constant 0 : i32
        %dma_start3A_179 = arith.constant 0 : i32
        %dma_start3A_180 = tpu.memref_slice %arg3[%dma_start3A_178, %dma_start3A_179] : memref<8194x1024xf32, #tpu.memory_space<hbm>> -> memref<8194x1024xf32, #tpu.memory_space<hbm>>
        tpu.enqueue_indirect_dma source(%dma_start3A_180 : memref<8194x1024xf32, #tpu.memory_space<hbm>>) target(%arg10 : memref<8x1024xf32, #tpu.memory_space<vmem>>) offsets(%dma_start3A_177 : memref<8xi32, #tpu.memory_space<vmem>>) semaphore(%arg14 : memref<!tpu.dma_semaphore, #tpu.memory_space<semaphore_mem>>)
      } else {
      }
      %mul3A_136 = arith.constant 4 : i32
      %mul3A_137 = arith.muli %scan3A_31, %mul3A_136 : i32
      %add3A_138 = arith.constant 3 : i32
      %add3A_139 = arith.addi %mul3A_137, %add3A_138 : i32
      %dma_wait3A_140 = arith.constant 0 : i32
      %dma_wait3A_141 = arith.constant 0 : i32
      %dma_wait3A_142 = tpu.memref_slice %arg3[%dma_wait3A_140, %dma_wait3A_141] : memref<8194x1024xf32, #tpu.memory_space<hbm>> -> memref<8x1024xf32, #tpu.memory_space<hbm>>
      %dma_wait3A_143 = arith.constant 0 : i32
      %dma_wait3A_144 = arith.constant 0 : i32
      %dma_wait3A_145 = tpu.memref_slice %arg3[%dma_wait3A_143, %dma_wait3A_144] : memref<8194x1024xf32, #tpu.memory_space<hbm>> -> memref<8x1024xf32, #tpu.memory_space<hbm>>
      tpu.wait_dma2 semaphore(%arg15 : memref<!tpu.dma_semaphore, #tpu.memory_space<semaphore_mem>>) src(%dma_wait3A_145 : memref<8x1024xf32, #tpu.memory_space<hbm>>) dst(%arg11 : memref<8x1024xf32, #tpu.memory_space<vmem>>)
      %scan3A_146 = arith.constant 0 : i32
      %scan3A_147 = arith.constant 0 : i32
      %scan3A_148 = arith.constant 64 : i32
      %scan3A_149 = arith.addi %scan3A_147, %scan3A_148 : i32
      %scan3A_150 = arith.constant 1 : i32
      scf.for %scan3A_172 = %scan3A_147 to %scan3A_149 step %scan3A_150  : i32 {
        %mul3A_173 = arith.constant 16 : i32
        %mul3A_174 = arith.muli %scan3A_172, %mul3A_173 : i32
        %get3A = arith.constant 0 : i32
        %get3A_175 = arith.index_cast %get3A : i32 to index
        %get3A_176 = arith.index_cast %mul3A_174 : i32 to index
        %get3A_177 = tpu.vector_load %arg11[%get3A_175, %get3A_176] {strides = array<i32>} : memref<8x1024xf32, #tpu.memory_space<vmem>>, vector<1x16xf32>,
        %get3A_178 = vector.shape_cast %get3A_177 : vector<1x16xf32> to vector<16xf32>
        %mul3A_179 = arith.constant 16 : i32
        %mul3A_180 = arith.muli %scan3A_172, %mul3A_179 : i32
        %get3A_181 = arith.constant 0 : i32
        %get3A_182 = arith.index_cast %get3A_181 : i32 to index
        %get3A_183 = arith.index_cast %mul3A_180 : i32 to index
        %get3A_184 = tpu.vector_load %arg7[%get3A_182, %get3A_183] {strides = array<i32>} : memref<8x1024xf32, #tpu.memory_space<vmem>>, vector<1x16xf32>,
        %get3A_185 = vector.shape_cast %get3A_184 : vector<1x16xf32> to vector<16xf32>
        %add3A_186 = arith.addf %get3A_178, %get3A_185 : vector<16xf32>
        %mul3A_187 = arith.constant 16 : i32
        %mul3A_188 = arith.muli %scan3A_172, %mul3A_187 : i32
        %swap3A = arith.constant 0 : i32
        %swap3A_189 = arith.index_cast %swap3A : i32 to index
        %swap3A_190 = arith.index_cast %mul3A_188 : i32 to index
        %swap3A_191 = tpu.vector_load %arg11[%swap3A_189, %swap3A_190] {strides = array<i32>} : memref<8x1024xf32, #tpu.memory_space<vmem>>, vector<1x16xf32>,
        %swap3A_192 = vector.shape_cast %swap3A_191 : vector<1x16xf32> to vector<16xf32>
        %swap3A_193 = vector.shape_cast %add3A_186 : vector<16xf32> to vector<1x16xf32>
        tpu.vector_store %arg11[%swap3A_189, %swap3A_190], %swap3A_193 {strides = array<i32>} : memref<8x1024xf32, #tpu.memory_space<vmem>>, vector<1x16xf32>,
        %mul3A_194 = arith.constant 16 : i32
        %mul3A_195 = arith.muli %scan3A_172, %mul3A_194 : i32
        %get3A_196 = arith.constant 1 : i32
        %get3A_197 = arith.index_cast %get3A_196 : i32 to index
        %get3A_198 = arith.index_cast %mul3A_195 : i32 to index
        %get3A_199 = tpu.vector_load %arg11[%get3A_197, %get3A_198] {strides = array<i32>} : memref<8x1024xf32, #tpu.memory_space<vmem>>, vector<1x16xf32>,
        %get3A_200 = vector.shape_cast %get3A_199 : vector<1x16xf32> to vector<16xf32>
        %mul3A_201 = arith.constant 16 : i32
        %mul3A_202 = arith.muli %scan3A_172, %mul3A_201 : i32
        %get3A_203 = arith.constant 1 : i32
        %get3A_204 = arith.index_cast %get3A_203 : i32 to index
        %get3A_205 = arith.index_cast %mul3A_202 : i32 to index
        %get3A_206 = tpu.vector_load %arg7[%get3A_204, %get3A_205] {strides = array<i32>} : memref<8x1024xf32, #tpu.memory_space<vmem>>, vector<1x16xf32>,
        %get3A_207 = vector.shape_cast %get3A_206 : vector<1x16xf32> to vector<16xf32>
        %add3A_208 = arith.addf %get3A_200, %get3A_207 : vector<16xf32>
        %mul3A_209 = arith.constant 16 : i32
        %mul3A_210 = arith.muli %scan3A_172, %mul3A_209 : i32
        %swap3A_211 = arith.constant 1 : i32
        %swap3A_212 = arith.index_cast %swap3A_211 : i32 to index
        %swap3A_213 = arith.index_cast %mul3A_210 : i32 to index
        %swap3A_214 = tpu.vector_load %arg11[%swap3A_212, %swap3A_213] {strides = array<i32>} : memref<8x1024xf32, #tpu.memory_space<vmem>>, vector<1x16xf32>,
        %swap3A_215 = vector.shape_cast %swap3A_214 : vector<1x16xf32> to vector<16xf32>
        %swap3A_216 = vector.shape_cast %add3A_208 : vector<16xf32> to vector<1x16xf32>
        tpu.vector_store %arg11[%swap3A_212, %swap3A_213], %swap3A_216 {strides = array<i32>} : memref<8x1024xf32, #tpu.memory_space<vmem>>, vector<1x16xf32>,
        %mul3A_217 = arith.constant 16 : i32
        %mul3A_218 = arith.muli %scan3A_172, %mul3A_217 : i32
        %get3A_219 = arith.constant 2 : i32
        %get3A_220 = arith.index_cast %get3A_219 : i32 to index
        %get3A_221 = arith.index_cast %mul3A_218 : i32 to index
        %get3A_222 = tpu.vector_load %arg11[%get3A_220, %get3A_221] {strides = array<i32>} : memref<8x1024xf32, #tpu.memory_space<vmem>>, vector<1x16xf32>,
        %get3A_223 = vector.shape_cast %get3A_222 : vector<1x16xf32> to vector<16xf32>
        %mul3A_224 = arith.constant 16 : i32
        %mul3A_225 = arith.muli %scan3A_172, %mul3A_224 : i32
        %get3A_226 = arith.constant 2 : i32
        %get3A_227 = arith.index_cast %get3A_226 : i32 to index
        %get3A_228 = arith.index_cast %mul3A_225 : i32 to index
        %get3A_229 = tpu.vector_load %arg7[%get3A_227, %get3A_228] {strides = array<i32>} : memref<8x1024xf32, #tpu.memory_space<vmem>>, vector<1x16xf32>,
        %get3A_230 = vector.shape_cast %get3A_229 : vector<1x16xf32> to vector<16xf32>
        %add3A_231 = arith.addf %get3A_223, %get3A_230 : vector<16xf32>
        %mul3A_232 = arith.constant 16 : i32
        %mul3A_233 = arith.muli %scan3A_172, %mul3A_232 : i32
        %swap3A_234 = arith.constant 2 : i32
        %swap3A_235 = arith.index_cast %swap3A_234 : i32 to index
        %swap3A_236 = arith.index_cast %mul3A_233 : i32 to index
        %swap3A_237 = tpu.vector_load %arg11[%swap3A_235, %swap3A_236] {strides = array<i32>} : memref<8x1024xf32, #tpu.memory_space<vmem>>, vector<1x16xf32>,
        %swap3A_238 = vector.shape_cast %swap3A_237 : vector<1x16xf32> to vector<16xf32>
        %swap3A_239 = vector.shape_cast %add3A_231 : vector<16xf32> to vector<1x16xf32>
        tpu.vector_store %arg11[%swap3A_235, %swap3A_236], %swap3A_239 {strides = array<i32>} : memref<8x1024xf32, #tpu.memory_space<vmem>>, vector<1x16xf32>,
        %mul3A_240 = arith.constant 16 : i32
        %mul3A_241 = arith.muli %scan3A_172, %mul3A_240 : i32
        %get3A_242 = arith.constant 3 : i32
        %get3A_243 = arith.index_cast %get3A_242 : i32 to index
        %get3A_244 = arith.index_cast %mul3A_241 : i32 to index
        %get3A_245 = tpu.vector_load %arg11[%get3A_243, %get3A_244] {strides = array<i32>} : memref<8x1024xf32, #tpu.memory_space<vmem>>, vector<1x16xf32>,
        %get3A_246 = vector.shape_cast %get3A_245 : vector<1x16xf32> to vector<16xf32>
        %mul3A_247 = arith.constant 16 : i32
        %mul3A_248 = arith.muli %scan3A_172, %mul3A_247 : i32
        %get3A_249 = arith.constant 3 : i32
        %get3A_250 = arith.index_cast %get3A_249 : i32 to index
        %get3A_251 = arith.index_cast %mul3A_248 : i32 to index
        %get3A_252 = tpu.vector_load %arg7[%get3A_250, %get3A_251] {strides = array<i32>} : memref<8x1024xf32, #tpu.memory_space<vmem>>, vector<1x16xf32>,
        %get3A_253 = vector.shape_cast %get3A_252 : vector<1x16xf32> to vector<16xf32>
        %add3A_254 = arith.addf %get3A_246, %get3A_253 : vector<16xf32>
        %mul3A_255 = arith.constant 16 : i32
        %mul3A_256 = arith.muli %scan3A_172, %mul3A_255 : i32
        %swap3A_257 = arith.constant 3 : i32
        %swap3A_258 = arith.index_cast %swap3A_257 : i32 to index
        %swap3A_259 = arith.index_cast %mul3A_256 : i32 to index
        %swap3A_260 = tpu.vector_load %arg11[%swap3A_258, %swap3A_259] {strides = array<i32>} : memref<8x1024xf32, #tpu.memory_space<vmem>>, vector<1x16xf32>,
        %swap3A_261 = vector.shape_cast %swap3A_260 : vector<1x16xf32> to vector<16xf32>
        %swap3A_262 = vector.shape_cast %add3A_254 : vector<16xf32> to vector<1x16xf32>
        tpu.vector_store %arg11[%swap3A_258, %swap3A_259], %swap3A_262 {strides = array<i32>} : memref<8x1024xf32, #tpu.memory_space<vmem>>, vector<1x16xf32>,
        %mul3A_263 = arith.constant 16 : i32
        %mul3A_264 = arith.muli %scan3A_172, %mul3A_263 : i32
        %get3A_265 = arith.constant 4 : i32
        %get3A_266 = arith.index_cast %get3A_265 : i32 to index
        %get3A_267 = arith.index_cast %mul3A_264 : i32 to index
        %get3A_268 = tpu.vector_load %arg11[%get3A_266, %get3A_267] {strides = array<i32>} : memref<8x1024xf32, #tpu.memory_space<vmem>>, vector<1x16xf32>,
        %get3A_269 = vector.shape_cast %get3A_268 : vector<1x16xf32> to vector<16xf32>
        %mul3A_270 = arith.constant 16 : i32
        %mul3A_271 = arith.muli %scan3A_172, %mul3A_270 : i32
        %get3A_272 = arith.constant 4 : i32
        %get3A_273 = arith.index_cast %get3A_272 : i32 to index
        %get3A_274 = arith.index_cast %mul3A_271 : i32 to index
        %get3A_275 = tpu.vector_load %arg7[%get3A_273, %get3A_274] {strides = array<i32>} : memref<8x1024xf32, #tpu.memory_space<vmem>>, vector<1x16xf32>,
        %get3A_276 = vector.shape_cast %get3A_275 : vector<1x16xf32> to vector<16xf32>
        %add3A_277 = arith.addf %get3A_269, %get3A_276 : vector<16xf32>
        %mul3A_278 = arith.constant 16 : i32
        %mul3A_279 = arith.muli %scan3A_172, %mul3A_278 : i32
        %swap3A_280 = arith.constant 4 : i32
        %swap3A_281 = arith.index_cast %swap3A_280 : i32 to index
        %swap3A_282 = arith.index_cast %mul3A_279 : i32 to index
        %swap3A_283 = tpu.vector_load %arg11[%swap3A_281, %swap3A_282] {strides = array<i32>} : memref<8x1024xf32, #tpu.memory_space<vmem>>, vector<1x16xf32>,
        %swap3A_284 = vector.shape_cast %swap3A_283 : vector<1x16xf32> to vector<16xf32>
        %swap3A_285 = vector.shape_cast %add3A_277 : vector<16xf32> to vector<1x16xf32>
        tpu.vector_store %arg11[%swap3A_281, %swap3A_282], %swap3A_285 {strides = array<i32>} : memref<8x1024xf32, #tpu.memory_space<vmem>>, vector<1x16xf32>,
        %mul3A_286 = arith.constant 16 : i32
        %mul3A_287 = arith.muli %scan3A_172, %mul3A_286 : i32
        %get3A_288 = arith.constant 5 : i32
        %get3A_289 = arith.index_cast %get3A_288 : i32 to index
        %get3A_290 = arith.index_cast %mul3A_287 : i32 to index
        %get3A_291 = tpu.vector_load %arg11[%get3A_289, %get3A_290] {strides = array<i32>} : memref<8x1024xf32, #tpu.memory_space<vmem>>, vector<1x16xf32>,
        %get3A_292 = vector.shape_cast %get3A_291 : vector<1x16xf32> to vector<16xf32>
        %mul3A_293 = arith.constant 16 : i32
        %mul3A_294 = arith.muli %scan3A_172, %mul3A_293 : i32
        %get3A_295 = arith.constant 5 : i32
        %get3A_296 = arith.index_cast %get3A_295 : i32 to index
        %get3A_297 = arith.index_cast %mul3A_294 : i32 to index
        %get3A_298 = tpu.vector_load %arg7[%get3A_296, %get3A_297] {strides = array<i32>} : memref<8x1024xf32, #tpu.memory_space<vmem>>, vector<1x16xf32>,
        %get3A_299 = vector.shape_cast %get3A_298 : vector<1x16xf32> to vector<16xf32>
        %add3A_300 = arith.addf %get3A_292, %get3A_299 : vector<16xf32>
        %mul3A_301 = arith.constant 16 : i32
        %mul3A_302 = arith.muli %scan3A_172, %mul3A_301 : i32
        %swap3A_303 = arith.constant 5 : i32
        %swap3A_304 = arith.index_cast %swap3A_303 : i32 to index
        %swap3A_305 = arith.index_cast %mul3A_302 : i32 to index
        %swap3A_306 = tpu.vector_load %arg11[%swap3A_304, %swap3A_305] {strides = array<i32>} : memref<8x1024xf32, #tpu.memory_space<vmem>>, vector<1x16xf32>,
        %swap3A_307 = vector.shape_cast %swap3A_306 : vector<1x16xf32> to vector<16xf32>
        %swap3A_308 = vector.shape_cast %add3A_300 : vector<16xf32> to vector<1x16xf32>
        tpu.vector_store %arg11[%swap3A_304, %swap3A_305], %swap3A_308 {strides = array<i32>} : memref<8x1024xf32, #tpu.memory_space<vmem>>, vector<1x16xf32>,
        %mul3A_309 = arith.constant 16 : i32
        %mul3A_310 = arith.muli %scan3A_172, %mul3A_309 : i32
        %get3A_311 = arith.constant 6 : i32
        %get3A_312 = arith.index_cast %get3A_311 : i32 to index
        %get3A_313 = arith.index_cast %mul3A_310 : i32 to index
        %get3A_314 = tpu.vector_load %arg11[%get3A_312, %get3A_313] {strides = array<i32>} : memref<8x1024xf32, #tpu.memory_space<vmem>>, vector<1x16xf32>,
        %get3A_315 = vector.shape_cast %get3A_314 : vector<1x16xf32> to vector<16xf32>
        %mul3A_316 = arith.constant 16 : i32
        %mul3A_317 = arith.muli %scan3A_172, %mul3A_316 : i32
        %get3A_318 = arith.constant 6 : i32
        %get3A_319 = arith.index_cast %get3A_318 : i32 to index
        %get3A_320 = arith.index_cast %mul3A_317 : i32 to index
        %get3A_321 = tpu.vector_load %arg7[%get3A_319, %get3A_320] {strides = array<i32>} : memref<8x1024xf32, #tpu.memory_space<vmem>>, vector<1x16xf32>,
        %get3A_322 = vector.shape_cast %get3A_321 : vector<1x16xf32> to vector<16xf32>
        %add3A_323 = arith.addf %get3A_315, %get3A_322 : vector<16xf32>
        %mul3A_324 = arith.constant 16 : i32
        %mul3A_325 = arith.muli %scan3A_172, %mul3A_324 : i32
        %swap3A_326 = arith.constant 6 : i32
        %swap3A_327 = arith.index_cast %swap3A_326 : i32 to index
        %swap3A_328 = arith.index_cast %mul3A_325 : i32 to index
        %swap3A_329 = tpu.vector_load %arg11[%swap3A_327, %swap3A_328] {strides = array<i32>} : memref<8x1024xf32, #tpu.memory_space<vmem>>, vector<1x16xf32>,
        %swap3A_330 = vector.shape_cast %swap3A_329 : vector<1x16xf32> to vector<16xf32>
        %swap3A_331 = vector.shape_cast %add3A_323 : vector<16xf32> to vector<1x16xf32>
        tpu.vector_store %arg11[%swap3A_327, %swap3A_328], %swap3A_331 {strides = array<i32>} : memref<8x1024xf32, #tpu.memory_space<vmem>>, vector<1x16xf32>,
        %mul3A_332 = arith.constant 16 : i32
        %mul3A_333 = arith.muli %scan3A_172, %mul3A_332 : i32
        %get3A_334 = arith.constant 7 : i32
        %get3A_335 = arith.index_cast %get3A_334 : i32 to index
        %get3A_336 = arith.index_cast %mul3A_333 : i32 to index
        %get3A_337 = tpu.vector_load %arg11[%get3A_335, %get3A_336] {strides = array<i32>} : memref<8x1024xf32, #tpu.memory_space<vmem>>, vector<1x16xf32>,
        %get3A_338 = vector.shape_cast %get3A_337 : vector<1x16xf32> to vector<16xf32>
        %mul3A_339 = arith.constant 16 : i32
        %mul3A_340 = arith.muli %scan3A_172, %mul3A_339 : i32
        %get3A_341 = arith.constant 7 : i32
        %get3A_342 = arith.index_cast %get3A_341 : i32 to index
        %get3A_343 = arith.index_cast %mul3A_340 : i32 to index
        %get3A_344 = tpu.vector_load %arg7[%get3A_342, %get3A_343] {strides = array<i32>} : memref<8x1024xf32, #tpu.memory_space<vmem>>, vector<1x16xf32>,
        %get3A_345 = vector.shape_cast %get3A_344 : vector<1x16xf32> to vector<16xf32>
        %add3A_346 = arith.addf %get3A_338, %get3A_345 : vector<16xf32>
        %mul3A_347 = arith.constant 16 : i32
        %mul3A_348 = arith.muli %scan3A_172, %mul3A_347 : i32
        %swap3A_349 = arith.constant 7 : i32
        %swap3A_350 = arith.index_cast %swap3A_349 : i32 to index
        %swap3A_351 = arith.index_cast %mul3A_348 : i32 to index
        %swap3A_352 = tpu.vector_load %arg11[%swap3A_350, %swap3A_351] {strides = array<i32>} : memref<8x1024xf32, #tpu.memory_space<vmem>>, vector<1x16xf32>,
        %swap3A_353 = vector.shape_cast %swap3A_352 : vector<1x16xf32> to vector<16xf32>
        %swap3A_354 = vector.shape_cast %add3A_346 : vector<16xf32> to vector<1x16xf32>
        tpu.vector_store %arg11[%swap3A_350, %swap3A_351], %swap3A_354 {strides = array<i32>} : memref<8x1024xf32, #tpu.memory_space<vmem>>, vector<1x16xf32>,
      }
      %scan3A_151 = arith.constant 64 : i32
      %mul3A_152 = arith.constant 256 : i32
      %mul3A_153 = arith.muli %add3A_139, %mul3A_152 : i32
      %add3A_154 = arith.addi %mul3A_153, %mul3A_2 : i32
      %dma_start3A_155 = arith.constant 0 : i32
      %dma_start3A_156 = tpu.memref_slice %arg5[%add3A_154, %dma_start3A_155] : memref<16384x1024xf32, #tpu.memory_space<hbm>> -> memref<8x1024xf32, #tpu.memory_space<hbm>>
      %dma_start3A_157 = arith.constant 0 : i32
      %dma_start3A_158 = tpu.memref_slice %arg5[%add3A_154, %dma_start3A_157] : memref<16384x1024xf32, #tpu.memory_space<hbm>> -> memref<8x1024xf32, #tpu.memory_space<hbm>>
      tpu.enqueue_dma source(%arg11 : memref<8x1024xf32, #tpu.memory_space<vmem>>) target(%dma_start3A_158 : memref<8x1024xf32, #tpu.memory_space<hbm>>) target_semaphore(%arg19 : memref<!tpu.dma_semaphore, #tpu.memory_space<semaphore_mem>>)
      %dma_wait3A_159 = arith.constant 0 : i32
      %dma_wait3A_160 = arith.constant 0 : i32
      %dma_wait3A_161 = tpu.memref_slice %arg5[%dma_wait3A_159, %dma_wait3A_160] : memref<16384x1024xf32, #tpu.memory_space<hbm>> -> memref<8x1024xf32, #tpu.memory_space<hbm>>
      %dma_wait3A_162 = arith.constant 0 : i32
      %dma_wait3A_163 = arith.constant 0 : i32
      %dma_wait3A_164 = tpu.memref_slice %arg5[%dma_wait3A_162, %dma_wait3A_163] : memref<16384x1024xf32, #tpu.memory_space<hbm>> -> memref<8x1024xf32, #tpu.memory_space<hbm>>
      tpu.wait_dma2 semaphore(%arg19 : memref<!tpu.dma_semaphore, #tpu.memory_space<semaphore_mem>>) src(%arg11 : memref<8x1024xf32, #tpu.memory_space<vmem>>) dst(%dma_wait3A_164 : memref<8x1024xf32, #tpu.memory_space<hbm>>)
      %add3A_165 = arith.constant 4 : i32
      %add3A_166 = arith.addi %add3A_139, %add3A_165 : i32
      %lt3A_167 = arith.constant 64 : i32
      %lt3A_168 = arith.cmpi slt, %add3A_166, %lt3A_167 : i32
      %convert_element_type3A_169 = arith.extui %lt3A_168 : i1 to i32
      %cond3A_170 = arith.constant 0 : i32
      %cond3A_171 = arith.cmpi ne, %convert_element_type3A_169, %cond3A_170 : i32
      scf.if %cond3A_171 {
        %add3A_172 = arith.constant 4 : i32
        %add3A_173 = arith.addi %add3A_139, %add3A_172 : i32
        %mul3A_174 = arith.constant 256 : i32
        %mul3A_175 = arith.muli %add3A_173, %mul3A_174 : i32
        %add3A_176 = arith.addi %mul3A_175, %mul3A_2 : i32
        %dma_start3A_177 = tpu.memref_slice %arg6[%add3A_176] : memref<16384xi32, #tpu.memory_space<vmem>> -> memref<8xi32, #tpu.memory_space<vmem>>
        %dma_start3A_178 = arith.constant 0 : i32
        %dma_start3A_179 = arith.constant 0 : i32
        %dma_start3A_180 = tpu.memref_slice %arg3[%dma_start3A_178, %dma_start3A_179] : memref<8194x1024xf32, #tpu.memory_space<hbm>> -> memref<8194x1024xf32, #tpu.memory_space<hbm>>
        tpu.enqueue_indirect_dma source(%dma_start3A_180 : memref<8194x1024xf32, #tpu.memory_space<hbm>>) target(%arg11 : memref<8x1024xf32, #tpu.memory_space<vmem>>) offsets(%dma_start3A_177 : memref<8xi32, #tpu.memory_space<vmem>>) semaphore(%arg15 : memref<!tpu.dma_semaphore, #tpu.memory_space<semaphore_mem>>)
      } else {
      }
    }
    %scan3A_30 = arith.constant 16 : i32
    return
  }
}

module attributes {stable_mosaic.version = 14 : i64} {
  func.func @_tc_body(%arg0: i32, %arg1: memref<1x256x768xf32, #tpu.memory_space<vmem>>, %arg2: memref<768x32xf32, #tpu.memory_space<vmem>>, %arg3: memref<32x8192xf32, #tpu.memory_space<vmem>>, %arg4: memref<1x8192xf32, #tpu.memory_space<vmem>>, %arg5: memref<1x1x256xi32, #tpu.memory_space<vmem>>) attributes {dimension_semantics = [#tpu.dimension_semantics<arbitrary>], iteration_bounds = array<i64: 64>, scalar_prefetch = 0 : i64, scratch_operands = 0 : i64, tpu.core_type = #tpu.core_type<tc>, window_params = [{transform_indices = @transform_0, window_bounds = array<i64: 1, 256, 768>}, {pipeline_mode = #tpu.pipeline_mode<synchronous>, transform_indices = @transform_1, window_bounds = array<i64: 768, 32>}, {pipeline_mode = #tpu.pipeline_mode<synchronous>, transform_indices = @transform_2, window_bounds = array<i64: 32, 8192>}, {pipeline_mode = #tpu.pipeline_mode<synchronous>, transform_indices = @transform_3, window_bounds = array<i64: 1, 8192>}, {transform_indices = @transform_4, window_bounds = array<i64: 1, 1, 256>}]} {
    %get3A = arith.constant 0 : index
    %get3A_0 = arith.constant 0 : index
    %get3A_1 = arith.constant 0 : index
    %get3A_2 = vector.load %arg1[%get3A, %get3A_0, %get3A_1] : memref<1x256x768xf32, #tpu.memory_space<vmem>>, vector<1x256x768xf32>
    %get3A_3 = vector.shape_cast %get3A_2 : vector<1x256x768xf32> to vector<256x768xf32>
    %reshape3A = vector.shape_cast %get3A_3 : vector<256x768xf32> to vector<16x16x16x48xf32>
    %transpose3A = tpu.transpose %reshape3A, [0, 2, 1, 3] : vector<16x16x16x48xf32> -> vector<16x16x16x48xf32>
    %reshape3A_4 = vector.shape_cast %transpose3A : vector<16x16x16x48xf32> to vector<256x768xf32>
    %get3A_5 = arith.constant 0 : index
    %get3A_6 = arith.constant 0 : index
    %get3A_7 = vector.load %arg2[%get3A_5, %get3A_6] : memref<768x32xf32, #tpu.memory_space<vmem>>, vector<768x32xf32>
    %dot_general3A = arith.constant dense<0.000000e+00> : vector<256x32xf32>
    %dot_general3A_8 = tpu.matmul %reshape3A_4, %get3A_7, %dot_general3A {dimension_numbers = #tpu.dot_dimension_numbers<[1], [0], [0], [1], [0, 0, 1, 1], [], []>, transpose_lhs_hint = false} : vector<256x768xf32>, vector<768x32xf32>, vector<256x32xf32> -> vector<256x32xf32>
    %get3A_9 = arith.constant 0 : index
    %get3A_10 = arith.constant 0 : index
    %get3A_11 = vector.load %arg3[%get3A_9, %get3A_10] : memref<32x8192xf32, #tpu.memory_space<vmem>>, vector<32x8192xf32>
    %dot_general3A_12 = arith.constant dense<0.000000e+00> : vector<256x8192xf32>
    %dot_general3A_13 = tpu.matmul %dot_general3A_8, %get3A_11, %dot_general3A_12 {dimension_numbers = #tpu.dot_dimension_numbers<[1], [0], [0], [1], [0, 0, 1, 1], [], []>, transpose_lhs_hint = false} : vector<256x32xf32>, vector<32x8192xf32>, vector<256x8192xf32> -> vector<256x8192xf32>
    %get3A_14 = arith.constant 0 : index
    %get3A_15 = arith.constant 0 : index
    %get3A_16 = vector.load %arg4[%get3A_14, %get3A_15] : memref<1x8192xf32, #tpu.memory_space<vmem>>, vector<1x8192xf32>
    %add3A = vector.broadcast %get3A_16 : vector<1x8192xf32> to vector<256x8192xf32>
    %add3A_17 = arith.addf %dot_general3A_13, %add3A : vector<256x8192xf32>
    %reduce_min3A = arith.constant dense<0x7F800000> : vector<256xf32>
    %reduce_min3A_18 = vector.multi_reduction <minimumf>, %add3A_17, %reduce_min3A [1] : vector<256x8192xf32> to vector<256xf32>
    %broadcast_in_dim3A = vector.shape_cast %reduce_min3A_18 : vector<256xf32> to vector<256x1xf32>
    %iota3A = tpu.iota {dimensions = array<i32: 1>} : vector<1x8192xi32>
    %convert_element_type3A = arith.sitofp %iota3A : vector<1x8192xi32> to vector<1x8192xf32>
    %eq3A = vector.broadcast %broadcast_in_dim3A : vector<256x1xf32> to vector<256x8192xf32>
    %eq3A_19 = arith.cmpf oeq, %add3A_17, %eq3A : vector<256x8192xf32>
    %jit3A = arith.constant 8.192000e+03 : f32
    %broadcast_in_dim3A_20 = vector.shape_cast %convert_element_type3A : vector<1x8192xf32> to vector<1x8192xf32>
    %broadcast_in_dim3A_21 = vector.broadcast %broadcast_in_dim3A_20 : vector<1x8192xf32> to vector<256x8192xf32>
    %broadcast_in_dim3A_22 = vector.broadcast %jit3A : f32 to vector<256x8192xf32>
    %select_n3A = arith.select %eq3A_19, %broadcast_in_dim3A_21, %broadcast_in_dim3A_22 : vector<256x8192xi1>, vector<256x8192xf32>
    %reduce_min3A_23 = arith.constant dense<0x7F800000> : vector<256xf32>
    %reduce_min3A_24 = vector.multi_reduction <minimumf>, %select_n3A, %reduce_min3A_23 [1] : vector<256x8192xf32> to vector<256xf32>
    %convert_element_type3A_25 = arith.fptosi %reduce_min3A_24 : vector<256xf32> to vector<256xi32>
    %broadcast_in_dim3A_26 = vector.shape_cast %convert_element_type3A_25 : vector<256xi32> to vector<1x256xi32>
    %add3A_27 = arith.constant 2 : i32
    %add3A_28 = vector.broadcast %add3A_27 : i32 to vector<1x256xi32>
    %add3A_29 = arith.addi %broadcast_in_dim3A_26, %add3A_28 : vector<1x256xi32>
    %swap3A = arith.constant 0 : index
    %swap3A_30 = arith.constant 0 : index
    %swap3A_31 = arith.constant 0 : index
    %swap3A_32 = vector.load %arg5[%swap3A, %swap3A_30, %swap3A_31] : memref<1x1x256xi32, #tpu.memory_space<vmem>>, vector<1x1x256xi32>
    %swap3A_33 = vector.shape_cast %swap3A_32 : vector<1x1x256xi32> to vector<1x256xi32>
    %swap3A_34 = vector.shape_cast %add3A_29 : vector<1x256xi32> to vector<1x1x256xi32>
    tpu.vector_store %arg5[%swap3A, %swap3A_30, %swap3A_31], %swap3A_34 {strides = array<i32>} : memref<1x1x256xi32, #tpu.memory_space<vmem>>, vector<1x1x256xi32>,
    return
  }
  func.func @transform_0(%arg0: i32) -> (i32, i32, i32) {
    %c0_i32 = arith.constant 0 : i32
    %c0_i32_0 = arith.constant 0 : i32
    %c0_i32_1 = arith.constant 0 : i32
    return %arg0, %c0_i32, %c0_i32_0 : i32, i32, i32
  }
  func.func @transform_1(%arg0: i32) -> (i32, i32) {
    %c0_i32 = arith.constant 0 : i32
    %c0_i32_0 = arith.constant 0 : i32
    %c0_i32_1 = arith.constant 0 : i32
    return %c0_i32, %c0_i32_0 : i32, i32
  }
  func.func @transform_2(%arg0: i32) -> (i32, i32) {
    %c0_i32 = arith.constant 0 : i32
    %c0_i32_0 = arith.constant 0 : i32
    %c0_i32_1 = arith.constant 0 : i32
    return %c0_i32, %c0_i32_0 : i32, i32
  }
  func.func @transform_3(%arg0: i32) -> (i32, i32) {
    %c0_i32 = arith.constant 0 : i32
    %c0_i32_0 = arith.constant 0 : i32
    %c0_i32_1 = arith.constant 0 : i32
    return %c0_i32, %c0_i32_0 : i32, i32
  }
  func.func @transform_4(%arg0: i32) -> (i32, i32, i32) {
    %c0_i32 = arith.constant 0 : i32
    %c0_i32_0 = arith.constant 0 : i32
    %c0_i32_1 = arith.constant 0 : i32
    return %arg0, %c0_i32, %c0_i32_0 : i32, i32, i32
  }
}

module attributes {stable_mosaic.version = 14 : i64} {
  func.func @_mask_body(%arg0: i32, %arg1: memref<4x256x256xf32, #tpu.memory_space<vmem>>, %arg2: memref<1x4x256x256xf32, #tpu.memory_space<vmem>>) attributes {dimension_semantics = [#tpu.dimension_semantics<arbitrary>], iteration_bounds = array<i64: 64>, scalar_prefetch = 0 : i64, scratch_operands = 0 : i64, tpu.core_type = #tpu.core_type<tc>, window_params = [{pipeline_mode = #tpu.pipeline_mode<synchronous>, transform_indices = @transform_0, window_bounds = array<i64: 4, 256, 256>}, {transform_indices = @transform_1, window_bounds = array<i64: 1, 4, 256, 256>}]} {
    %get3A = arith.constant 0 : index
    %get3A_0 = arith.constant 0 : index
    %get3A_1 = arith.constant 0 : index
    %get3A_2 = vector.load %arg1[%get3A, %get3A_0, %get3A_1] : memref<4x256x256xf32, #tpu.memory_space<vmem>>, vector<4x256x256xf32>
    %swap3A = arith.constant 0 : index
    %swap3A_3 = arith.constant 0 : index
    %swap3A_4 = arith.constant 0 : index
    %swap3A_5 = arith.constant 0 : index
    %swap3A_6 = vector.load %arg2[%swap3A, %swap3A_3, %swap3A_4, %swap3A_5] : memref<1x4x256x256xf32, #tpu.memory_space<vmem>>, vector<1x4x256x256xf32>
    %swap3A_7 = vector.shape_cast %swap3A_6 : vector<1x4x256x256xf32> to vector<4x256x256xf32>
    %swap3A_8 = vector.shape_cast %get3A_2 : vector<4x256x256xf32> to vector<1x4x256x256xf32>
    tpu.vector_store %arg2[%swap3A, %swap3A_3, %swap3A_4, %swap3A_5], %swap3A_8 {strides = array<i32>} : memref<1x4x256x256xf32, #tpu.memory_space<vmem>>, vector<1x4x256x256xf32>,
    return
  }
  func.func @transform_0(%arg0: i32) -> (i32, i32, i32) {
    %c0_i32 = arith.constant 0 : i32
    %c0_i32_0 = arith.constant 0 : i32
    %c0_i32_1 = arith.constant 0 : i32
    %c0_i32_2 = arith.constant 0 : i32
    return %c0_i32, %c0_i32_0, %c0_i32_1 : i32, i32, i32
  }
  func.func @transform_1(%arg0: i32) -> (i32, i32, i32, i32) {
    %c0_i32 = arith.constant 0 : i32
    %c0_i32_0 = arith.constant 0 : i32
    %c0_i32_1 = arith.constant 0 : i32
    %c0_i32_2 = arith.constant 0 : i32
    return %arg0, %c0_i32, %c0_i32_0, %c0_i32_1 : i32, i32, i32, i32
  }
}

</mosaic_0001>

<sc_bundles>
// kernel: kernel.5.cloned.1.call-start
scs
__scs_entry_jumppad:
0x0: {  	(pc) =	sbr.rel $0x88, $3  }
0x1: {  	(tag) =	ssettag $0x0;
	lr =	simm.s32 $0x1  }
0x2: {  	[smem:$0x3F9C] =	sst lr;
	_ =	strace $0xD0000000  }
0x3: {  	_ = 	snop  }
0x4: {  	_ = 	snop  }
0x5: {  	_ = 	snop  }
0x6: {  	_ = 	snop  }
0x7: {  	_ = 	snop  }
__scs_overlays_trampoline_lowered:
0x8: {  	[smem:$0x3FAB] =	sst s0  }
0x9: {  	[smem:$0x3FAC] =	sst s1  }
0xa: {  	[smem:$0x3FAD] =	sst s2  }
0xb: {  	[smem:$0x3FAE] =	sst s3  }
0xc: {  	[smem:$0x3FAF] =	sst s4  }
0xd: {  	[smem:$0x3FB0] =	sst s5  }
0xe: {  	[smem:$0x3FB1] =	sst s6  }
0xf: {  	[smem:$0x3FB2] =	sst s7  }
0x10: {  	[smem:$0x3FB3] =	sst s8  }
0x11: {  	[smem:$0x3FB4] =	sst s9;
	s0 =	simm.s32 @!p0 $0x0  }
0x12: {  	s1 =	sld [smem:$0x3F9A];
	s0 =	simm.s32 @p0 $0x1  }
0x13: {  	[smem:$0x3FB5] =	sst s0;
	s0 =	simm.s32 @!p1 $0x0  }
0x14: {  	s2 =	sld [smem:$0x3F99];
	s0 =	simm.s32 @p1 $0x1  }
0x15: {  	[smem:$0x3FB6] =	sst s0;
	s0 =	simm.s32 @!p2 $0x0  }
0x16: {  	s3 =	sld [smem:$0x3FDB];
	s0 =	simm.s32 @p2 $0x1  }
0x17: {  	s4 =	simm.s32 $0x1BF5;
	[smem:$0x3FB8] =	sst s0  }
0x18: {  	s0 =	sld [smem:$0x3F9B];
	_ =	swait.ge [sflag:s4], $0x0  }
0x19: {  	s7 =	sld [smem:$0x3F9C]  }
0x1a: {  	s8 =	sadd.s32 $0xFFFFE003, lr  }
0x1b: {  	s9 =	sadd.s32 $0xFFFFFEF7, lr;
	s5 =	simm.s32 $0xFFFFFFFF;
	p2 =	slt.u32 s8, $0xFFFFF086  }
0x1c: {  	p1 =	slt.u32 s9, $0xF7A;
	s5 =	simm.s32 @!p2 $0x0  }
0x1d: {  	s5 =	simm.s32 @p1 $0x1;
	p0 =	seq.s32 s7, s2  }
0x1e: {  	s7 =	smul.u32 @!p0 $0xF7A, s2;
	p2 =	seq.s32 @!p0 s5, $0x0  }
0x1f: {  	s9 =	smul.u32 $0xF7A, s1;
	s8 =	simm.s32 @!p0 $0x1BF5;
	p2 =	por !p2, p0  }
0x20: {  	[sflag:s8] =	ssyncset.s32 @!p0 $0xFFFFF086;
	s6 =	sadd.s32 @!p0 s3, s7;
	s7 =	simm.s32 @!p0 $0x108  }
0x21: {  	s3 =	sadd.s32 s3, s9;
	s6 =	sadd.s32 @!p0 $0x88, s6;
	s7 =	simm.s32 @p2 $0x1082  }
0x22: {  	[simem:s7], [sflag:s8] =	dma.local @!p0 [hbm:s6], $0xF7A  }
0x23: {  	s9 =	sor.u32 $0xD0000000, s2;
	s6 =	simm.s32 $0x108;
	_ =	swait.ge @!p0 [sflag:s8], $0x0  }
0x24: {  	s3 =	sadd.s32 $0x88, s3;
	s6 =	simm.s32 @!p1 $0x1082;
	[sflag:s4] =	ssyncset.s32 $0xFFFFF086  }
0x25: {  	[simem:s6], [sflag:s4] =	dma.local [hbm:s3], $0xF7A  }
0x26: {  	[smem:$0x3F9C] =	sst s1;
	(tag) =	ssettag s2;
	_ =	strace s9  }
0x27: {  	s1 =	sld [smem:$0x3FAC]  }
0x28: {  	s2 =	sld [smem:$0x3FAD]  }
0x29: {  	s4 =	sld [smem:$0x3FAF]  }
0x2a: {  	p0 =	seq.s32 s5, $0x0;
	s5 =	sld [smem:$0x3FB0]  }
0x2b: {  	s6 =	sld [smem:$0x3FB1]  }
0x2c: {  	s7 =	sld [smem:$0x3FB2]  }
0x2d: {  	s3 =	simm.s32 $0x108;
	s8 =	sld [smem:$0x3FB3]  }
0x2e: {  	s3 =	simm.s32 @!p0 $0x1082;
	s9 =	sld [smem:$0x3FB4]  }
0x2f: {  	lr =	sadd.s32 s0, s3;
	s0 =	sld [smem:$0x3FAB]  }
0x30: {  	s3 =	sld [smem:$0x3FAE]  }
0x31: {  	[smem:$0x3FB7] =	sst s10  }
0x32: {  	s10 =	sld [smem:$0x3FB5];
	_ =	sdelay $0x3  }
0x33: {  	p0 =	seq.s32 s10, $0x1;
	s10 =	sld [smem:$0x3FB7];
	_ =	sdelay $0x3  }
0x34: {  	[smem:$0x3FB7] =	sst s10  }
0x35: {  	s10 =	sld [smem:$0x3FB6];
	_ =	sdelay $0x3  }
0x36: {  	p1 =	seq.s32 s10, $0x1;
	s10 =	sld [smem:$0x3FB7];
	_ =	sdelay $0x3  }
0x37: {  	[smem:$0x3FB7] =	sst s10  }
0x38: {  	s10 =	sld [smem:$0x3FB8]  }
0x39: {  	_ = 	snop;
	(pc) =	sbr.ind lr, $3  }
0x3a: {  	_ = 	snop  }
0x3b: {  	_ = 	snop  }
0x3c: {  	p2 =	seq.s32 s10, $0x1;
	s10 =	sld [smem:$0x3FB7]  }
0x3d: {  	_ =	shalt  }
0x3e: {  	_ =	shalt  }
0x3f: {  	_ =	shalt  }
0x40: {  	_ =	shalt  }
0x41: {  	_ =	shalt  }
0x42: {  	_ =	shalt  }
0x43: {  	_ =	shalt  }
0x44: {  	_ =	shalt  }
0x45: {  	_ =	shalt  }
0x46: {  	_ =	shalt  }
0x47: {  	_ =	shalt  }
0x48: {  	_ =	shalt  }
0x49: {  	_ =	shalt  }
0x4a: {  	_ =	shalt  }
0x4b: {  	_ =	shalt  }
0x4c: {  	_ =	shalt  }
0x4d: {  	_ =	shalt  }
0x4e: {  	_ =	shalt  }
0x4f: {  	_ =	shalt  }
0x50: {  	_ =	shalt  }
0x51: {  	_ =	shalt  }
0x52: {  	_ =	shalt  }
0x53: {  	_ =	shalt  }
0x54: {  	_ =	shalt  }
0x55: {  	_ =	shalt  }
0x56: {  	_ =	shalt  }
0x57: {  	_ =	shalt  }
0x58: {  	_ =	shalt  }
0x59: {  	_ =	shalt  }
0x5a: {  	_ =	shalt  }
0x5b: {  	_ =	shalt  }
0x5c: {  	_ =	shalt  }
0x5d: {  	_ =	shalt  }
0x5e: {  	_ =	shalt  }
0x5f: {  	_ =	shalt  }
0x60: {  	_ =	shalt  }
0x61: {  	_ =	shalt  }
0x62: {  	_ =	shalt  }
0x63: {  	_ =	shalt  }
0x64: {  	_ =	shalt  }
0x65: {  	_ =	shalt  }
0x66: {  	_ =	shalt  }
0x67: {  	_ =	shalt  }
0x68: {  	_ =	shalt  }
0x69: {  	_ =	shalt  }
0x6a: {  	_ =	shalt  }
0x6b: {  	_ =	shalt  }
0x6c: {  	_ =	shalt  }
0x6d: {  	_ =	shalt  }
0x6e: {  	_ =	shalt  }
0x6f: {  	_ =	shalt  }
0x70: {  	_ =	shalt  }
0x71: {  	_ =	shalt  }
0x72: {  	_ =	shalt  }
0x73: {  	_ =	shalt  }
0x74: {  	_ =	shalt  }
0x75: {  	_ =	shalt  }
0x76: {  	_ =	shalt  }
0x77: {  	_ =	shalt  }
0x78: {  	_ =	shalt  }
0x79: {  	_ =	shalt  }
0x7a: {  	_ =	shalt  }
0x7b: {  	_ =	shalt  }
0x7c: {  	_ =	shalt  }
0x7d: {  	_ =	shalt  }
0x7e: {  	_ =	shalt  }
0x7f: {  	_ =	shalt  }
0x80: {  	_ =	shalt  }
0x81: {  	_ =	shalt  }
0x82: {  	_ =	shalt  }
0x83: {  	_ =	shalt  }
0x84: {  	_ =	shalt  }
0x85: {  	_ =	shalt  }
0x86: {  	_ =	shalt  }
0x87: {  	_ =	shalt  }
.Lfunc_end0:
.L_simem_size_0:
called_computation_lowered:
.L_overlay_start_0:
0x88: {  	s2 =	sld [smem:$0x3FD9]  }
0x89: {  	s3 =	sld [smem:$0x3FFE];
	_ =	sdelay $0x1  }
0x8a: {  	s1 =	srdreg.scid  }
0x8b: {  	s0 =	sand.u32 $0x1, s1  }
0x8c: {  	s14 =	sshll.u32 s0, $0xA;
	s2 =	sadd.s32 s3, s2  }
0x8d: {  	s2 =	sadd.s32 s2, s14  }
0x8e: {  	[smem:$0x3FC3] =	sst s2  }
0x8f: {  	_ = 	snop  }
0x90: {  	s2 =	sld [smem:$0x3FD0];
	_ =	sdelay $0x1  }
0x91: {  	s15 =	sld [smem:$0x3FC8]  }
0x92: {  	s5 =	simm.s32 $0xA;
	s6 =	simm.s32 $0x10;
	s4 =	sld [smem:$0x3FC5]  }
0x93: {  	[smem:s6], [sflag:s5] =	dma.local [hbm:s2], $0x1  }
0x94: {  	_ =	swait.eq [sflag:s5], $0x1  }
0x95: {  	[sflag:s5] =	ssyncset.done $0x0  }
0x96: {  	[sflag:s5] =	ssyncadd.s32 $0xFFFFFFFF  }
0x97: {  	s16 =	sld [smem:$0x10];
	(tm) =	ssettm $0x1  }
0x98: {  	s17 =	sld [smem:$0x3FFB];
	_ =	sdelay $0x3  }
0x99: {  	_ =	strace s17  }
0x9a: {  	s5 =	sld [smem:$0x3FFC];
	_ =	sdelay $0x3  }
0x9b: {  	_ =	strace s5  }
0x9c: {  	s5 =	sld [smem:$0x3FFD];
	_ =	sdelay $0x3  }
0x9d: {  	_ =	strace s5  }
0x9e: {  	_ =	strace $0x8FFFFFFF  }
0x9f: {  	s18 =	sld [smem:$0x3FDB];
	_ =	sdelay $0x1  }
0xa0: {  	s19 =	simm.s32 $_scs_section_size  }
0xa1: {  	s7 =	simm.s32 $_size__tile_overlayer_lowered;
	s8 =	simm.s32 $_tile_overlayer_lowered  }
0xa2: {  	s22 =	simm.s32 $0x1BFF;
	s21 =	sshll.u32 s8, $0x1;
	s5 =	sadd.s32 s19, s18  }
0xa3: {  	s9 =	simm.s32 $0x0;
	s20 =	sshll.u32 s7, $0x1;
	s7 =	sadd.s32 s21, s5  }
0xa4: {  	[timem:s9], [sflag:s22] =	dma.local [hbm:s7], s20  }
0xa5: {  	_ =	swait.ge [sflag:s22], s20  }
0xa6: {  	s6 =	ssub.s32 $0x0, s20;
	[sflag:s22] =	ssyncset.done $0x0  }
0xa7: {  	[sflag:s22] =	ssyncadd.s32 s6;
	_ =	sdelay $0x1  }
0xa8: {  	s23 =	simm.s32 $0x1B8B  }
0xa9: {  	_ =	swait.ge [sflag:s23], $0x1  }
0xaa: {  	[sflag:s23] =	ssyncset.done $0x0  }
0xab: {  	s25 =	simm.s32 $0x1B8E;
	s24 =	sld [smem:$0x3FFE];
	[sflag:s23] =	ssyncadd.s32 $0xFFFFFFFF  }
0xac: {  	s26 =	simm.s32 $execute0_lowered;
	[smem:$0x3FD2] =	sst s25  }
0xad: {  	s7 =	sshll.u32 s26, $0x1;
	_ =	strace $0x80000046;
	[dreg:$0x1] =	wrdreg $0xFFFFFFFF  }
0xae: {  	s28 =	simm.s32 $_size_execute0_lowered;
	s5 =	sadd.s32 s5, s7;
	[dreg:$0x0] =	wrdreg $0x0  }
0xaf: {  	s7 =	sshll.u32 s28, $0x1;
	[dreg:$0x2] =	wrdreg s5  }
0xb0: {  	[dreg:$0x3] =	wrdreg s7  }
0xb1: {  	[dreg:$0x4] =	wrdreg $0xC0  }
0xb2: {  	_ =	task [dreg:s9], $0x5FFFF  }
0xb3: {  	[dreg:$0x1] =	wrdreg $0xFFFFFFFF  }
0xb4: {  	[dreg:$0x0] =	wrdreg $0x60  }
0xb5: {  	[dreg:$0x2] =	wrdreg s24  }
0xb6: {  	[dreg:$0x3] =	wrdreg s15  }
0xb7: {  	[dreg:$0x4] =	wrdreg s4  }
0xb8: {  	[dreg:$0x5] =	wrdreg s16  }
0xb9: {  	[dreg:$0x6] =	wrdreg $0x9  }
0xba: {  	_ =	task.clear_ibuf [dreg:s9], $0x7FFFF;
	_ =	strace $0x90000046  }
0xbb: {  	s29 =	simm.s32 $0x9;
	_ =	strace $0x80000048  }
0xbc: {  	_ =	swait.ge [sflag:s29], $0x1  }
0xbd: {  	[sflag:s29] =	ssyncadd.s32 $0xFFFFFFFF  }
0xbe: {  	_ =	strace $0x90000048  }
0xbf: {  	_ =	sfence  }
0xc0: {  	s30 =	sld [smem:$0x0];
	_ =	sdelay $0x2  }
0xc1: {  	s31 =	sshll.u32 s1, $0xD;
	s1 =	sshrl.u32 s1, $0x2  }
0xc2: {  	s3 =	sand.u32 $0x4000, s31;
	s1 =	sadd.s32 s1, s30  }
0xc3: {  	s0 =	sor.u32 s3, s0;
	s1 =	sshll.u32 s1, $0x11  }
0xc4: {  	s0 =	sor.u32 s1, s0  }
0xc5: {  	s0 =	sadd.s32 $0x8F2B, s0  }
0xc6: {  	[sflag:s0] =	ssyncadd.remote.s32 $0x1  }
0xc7: {  	_ =	sfence.sel $0xFFFF  }
0xc8: {  	[dreg:$0x0] =	wrdreg $0xFFFFFFFF;
	(pc) =	sbr.abs _section_cstart, $3  }
0xc9: {  	[dreg:$0x1] =	wrdreg $0xFFFFFFFF  }
0xca: {  	_ =	task.clear_ibuf [dreg:s9], $0x2FFFF;
	_ =	strace $0x9FFFFFFF  }
0xcb: {  	(tm) =	ssettm $0x7FFFFFFF  }
tec
execute0_lowered:
.L_overlay_start_1:
0x0: {  	(tag) =	ssettag $0x1  }
0x1: {  	s0 =	rddreg [dreg:$0x0]  }
0x2: {  	s1 =	rddreg [dreg:$0x1]  }
0x3: {  	s2 =	rddreg [dreg:$0x2]  }
0x4: {  	s8 =	rddreg [dreg:$0x3]  }
0x5: {  	s3 =	srdreg.scid;
	s4 =	simm.s32 $0x0;
	s5 =	stileid.u32  }
0x6: {  	s19 =	simm.s32 $0xC000;
	s28 =	simm.s32 $0x5;
	s29 =	simm.s32 $0x2  }
0x7: {  	s31 =	simm.s32 $0x6;
	s12 =	simm.s32 $0x0;
	s3 =	sand.u32 $0x1, s3  }
0x8: {  	[smem:$0x7FF] =	sst s4;
	s5 =	sshll.u32 s5, $0x4;
	s0 =	sadd.s32 $0x800, s0  }
0x9: {  	s9 =	sadd.s32 $0x100, s1;
	s10 =	sadd.s32 $0x200, s1;
	s11 =	sadd.s32 $0x300, s1  }
0xa: {  	s15 =	sadd.s32 $0x8000, s8;
	s16 =	sadd.s32 $0x10000, s8;
	s17 =	sadd.s32 $0x18000, s8  }
0xb: {  	s8 =	simm.s32 $0x8;
	s6 =	sshll.u32 s3, $0x3;
	_ =	strace $0x80000047  }
0xc: {  	s3 =	ssub.s32 $0x2, s3;
	[dreg:$0x5] =	wrdreg s0;
	s5 =	sor.u32 s6, s5  }
0xd: {  	s24 =	sshrl.u32 s3, $0x1;
	s6 =	simm.s32 $0x4;
	s25 =	sor.u32 $0x100, s5  }
.Ltmp0:
0xe: {  	s26 =	sor.u32 $0x200, s5;
	[dreg:$0x7] =	wrdreg s25;
	(pc) =	sbr.rel .LBB2_1-.Ltmp0, $4  }
0xf: {  	s7 =	sshll.u32 s5, $0x7;
	s30 =	sor.u32 $0x300, s5;
	[dreg:$0x8] =	wrdreg s26  }
0x10: {  	v1 =	vlaneseq.u32;
	s0 =	ssub.s32 s3, s24;
	s2 =	sadd.s32 s2, s7;
	[dreg:$0x9] =	wrdreg s30  }
0x11: {  	v0 =	vand.u32 $0x7, v1;
	v1 =	vshrl.u32 v1, $0x3;
	s0 =	smax.u32 s0, $0x1;
	s26 =	simm.s32 $0x1;
	[dreg:$0x6] =	wrdreg s2  }
0x12: {  	vm0 =	vmmov $0xffff;
	v1 =	vmul.u32 $0x8, v1;
	v2 =	vmov s5;
	[dreg:$0xa] =	wrdreg s0;
	s0 =	simm.s32 $0x3;
	s2 =	simm.s32 $0x7  }
.LBB2_12:
0x13: {  	s12 =	rddreg [dreg:$0xb]  }
0x14: {  	s3 =	rddreg [dreg:$0xa];
	s12 =	sadd.s32 $0x1, s12  }
0x15: {  	p0 =	sne.s32 s12, s3  }
.Ltmp1:
0x16: {  	_ = 	snop;
	(pc) =	sbr.rel @!p0 .LBB2_13-.Ltmp1, $1  }
0x17: {  	_ =	sdelay $0x3  }
.LBB2_1:
0x18: {  	[dreg:$0xb] =	wrdreg s12  }
0x19: {  	s3 =	rddreg [dreg:$0x6];
	s13 =	simm.s32 $0x4000;
	s14 =	simm.s32 $0x9  }
0x1a: {  	[tilespmem:s13], [sflag:$0x9] =	stream.linear.gather [hbm4b:s3+s4], $0x2000, $0x38;
	[tilespmem:$0xE000] =	vst v63  }
0x1b: {  	_ =	swait.ge [sflag:s14], $0x2000  }
0x1c: {  	[sflag:s14] =	ssyncset.done $0x0  }
0x1d: {  	s18 =	rddreg [dreg:$0x5];
	[sflag:s14] =	ssyncadd.s32 $0xFFFFE000  }
0x1e: {  	[tilespmem:s4], [sflag:$0x9] =	stream.linear.gather [hbm4b:s18+s4], $0x4000, $0x38;
	[tilespmem:$0xE000] =	vst v63  }
0x1f: {  	_ =	swait.ge [sflag:s14], $0x4000  }
0x20: {  	[sflag:s14] =	ssyncset.done $0x0  }
0x21: {  	[sflag:s14] =	ssyncadd.s32 $0xFFFFC000  }
0x22: {  	v3 =	vld.msk [tilespmem:s5+$0x0], $0xff;
	_ =	sdelay $0x4  }
0x23: {  	v4 =	vshll.u32 v3, $0x3  }
0x24: {  	v3 =	vand.u32 $0x7, v3;
	v4 =	vand.u32 $0xFFFFFFC0, v4  }
0x25: {  	v3 =	vor.u32 v3, v4  }
0x26: {  	v3 =	vperm.xlane v3, v0;
	_ =	sdelay $0x1  }
0x27: {  	v3 =	vadd.s32 v1, v3;
	_ =	sdelay $0x3  }
0x28: {  	s20 =	simm.s32 $0x6000  }
0x29: {  	[tilespmem:s20], [sflag:$0x1] =	stream.indirect_vreg.gather [hbm4b:s1+s4], $0x80, v3, vm0, $0xb8;
	[tilespmem:$0xE000] =	vst v63  }
0x2a: {  	s21 =	simm.s32 $0x6800  }
0x2b: {  	[tilespmem:s21], [sflag:$0x1] =	stream.indirect_vreg.gather [hbm4b:s9+s4], $0x80, v3, vm0, $0xb8;
	[tilespmem:$0xE000] =	vst v63  }
0x2c: {  	s22 =	simm.s32 $0x7000  }
0x2d: {  	[tilespmem:s22], [sflag:$0x1] =	stream.indirect_vreg.gather [hbm4b:s10+s4], $0x80, v3, vm0, $0xb8;
	[tilespmem:$0xE000] =	vst v63  }
0x2e: {  	s23 =	simm.s32 $0x7800;
	s24 =	rddreg [dreg:$0x7]  }
0x2f: {  	[tilespmem:s23], [sflag:$0x1] =	stream.indirect_vreg.gather [hbm4b:s11+s4], $0x80, v3, vm0, $0xb8;
	[tilespmem:$0xE000] =	vst v63  }
0x30: {  	v3 =	vld.msk [tilespmem:s24+$0x0], $0xff;
	_ =	sdelay $0x4  }
0x31: {  	v61 =	vshll.u32 v3, $0x3  }
0x32: {  	v3 =	vand.u32 $0x7, v3;
	v4 =	vand.u32 $0xFFFFFFC0, v61  }
0x33: {  	v3 =	vor.u32 v3, v4  }
0x34: {  	v3 =	vperm.xlane v3, v0;
	_ =	sdelay $0x1  }
0x35: {  	v3 =	vadd.s32 v1, v3;
	_ =	sdelay $0x3  }
0x36: {  	s25 =	simm.s32 $0x8000  }
0x37: {  	[tilespmem:s25], [sflag:$0x2] =	stream.indirect_vreg.gather [hbm4b:s1+s4], $0x80, v3, vm0, $0xb8;
	[tilespmem:$0xE000] =	vst v63  }
0x38: {  	s30 =	simm.s32 $0x8800  }
0x39: {  	[tilespmem:s30], [sflag:$0x2] =	stream.indirect_vreg.gather [hbm4b:s9+s4], $0x80, v3, vm0, $0xb8;
	[tilespmem:$0xE000] =	vst v63  }
0x3a: {  	s12 =	simm.s32 $0x9000  }
0x3b: {  	[tilespmem:s12], [sflag:$0x2] =	stream.indirect_vreg.gather [hbm4b:s10+s4], $0x80, v3, vm0, $0xb8;
	[tilespmem:$0xE000] =	vst v63  }
0x3c: {  	s13 =	simm.s32 $0x9800;
	s14 =	rddreg [dreg:$0x8]  }
0x3d: {  	[tilespmem:s13], [sflag:$0x2] =	stream.indirect_vreg.gather [hbm4b:s11+s4], $0x80, v3, vm0, $0xb8;
	[tilespmem:$0xE000] =	vst v63  }
0x3e: {  	v3 =	vld.msk [tilespmem:s14+$0x0], $0xff;
	_ =	sdelay $0x4  }
0x3f: {  	v62 =	vshll.u32 v3, $0x3  }
0x40: {  	v3 =	vand.u32 $0x7, v3;
	v4 =	vand.u32 $0xFFFFFFC0, v62  }
0x41: {  	v3 =	vor.u32 v3, v4  }
0x42: {  	v3 =	vperm.xlane v3, v0;
	_ =	sdelay $0x1  }
0x43: {  	v3 =	vadd.s32 v1, v3;
	_ =	sdelay $0x3  }
0x44: {  	s18 =	simm.s32 $0xA000  }
0x45: {  	[tilespmem:s18], [sflag:$0x3] =	stream.indirect_vreg.gather [hbm4b:s1+s4], $0x80, v3, vm0, $0xb8;
	[tilespmem:$0xE000] =	vst v63  }
0x46: {  	s20 =	simm.s32 $0xA800  }
0x47: {  	[tilespmem:s20], [sflag:$0x3] =	stream.indirect_vreg.gather [hbm4b:s9+s4], $0x80, v3, vm0, $0xb8;
	[tilespmem:$0xE000] =	vst v63  }
0x48: {  	s21 =	simm.s32 $0xB000  }
0x49: {  	[tilespmem:s21], [sflag:$0x3] =	stream.indirect_vreg.gather [hbm4b:s10+s4], $0x80, v3, vm0, $0xb8;
	[tilespmem:$0xE000] =	vst v63  }
0x4a: {  	s22 =	simm.s32 $0xB800;
	s23 =	rddreg [dreg:$0x9]  }
0x4b: {  	[tilespmem:s22], [sflag:$0x3] =	stream.indirect_vreg.gather [hbm4b:s11+s4], $0x80, v3, vm0, $0xb8;
	[tilespmem:$0xE000] =	vst v63  }
0x4c: {  	v3 =	vld.msk [tilespmem:s23+$0x0], $0xff;
	_ =	sdelay $0x4  }
0x4d: {  	v63 =	vshll.u32 v3, $0x3  }
0x4e: {  	v3 =	vand.u32 $0x7, v3;
	v4 =	vand.u32 $0xFFFFFFC0, v63  }
0x4f: {  	v3 =	vor.u32 v3, v4  }
0x50: {  	v3 =	vperm.xlane v3, v0;
	_ =	sdelay $0x1  }
0x51: {  	v3 =	vadd.s32 v1, v3;
	_ =	sdelay $0x4  }
0x52: {  	[tilespmem:s19], [sflag:$0x4] =	stream.indirect_vreg.gather [hbm4b:s1+s4], $0x80, v3, vm0, $0xb8;
	[tilespmem:$0xE000] =	vst v63  }
0x53: {  	s24 =	simm.s32 $0xC800  }
0x54: {  	[tilespmem:s24], [sflag:$0x4] =	stream.indirect_vreg.gather [hbm4b:s9+s4], $0x80, v3, vm0, $0xb8;
	[tilespmem:$0xE000] =	vst v63  }
0x55: {  	s25 =	simm.s32 $0xD000  }
0x56: {  	[tilespmem:s25], [sflag:$0x4] =	stream.indirect_vreg.gather [hbm4b:s10+s4], $0x80, v3, vm0, $0xb8;
	[tilespmem:$0xE000] =	vst v63  }
0x57: {  	s30 =	simm.s32 $0xD800;
	s13 =	simm.s32 $0x0  }
0x58: {  	[tilespmem:s30], [sflag:$0x4] =	stream.indirect_vreg.gather [hbm4b:s11+s4], $0x80, v3, vm0, $0xb8;
	[tilespmem:$0xE000] =	vst v63  }
.LBB2_2:
0x59: {  	_ =	swait.ge [sflag:s26], $0x2000;
	s3 =	simm.s32 $0x0  }
0x5a: {  	[sflag:s26] =	ssyncset.done $0x0;
	s12 =	sand.u32 $0x70, s3;
	s14 =	sand.u32 $0x1C00, s3  }
0x5b: {  	[sflag:s26] =	ssyncadd.s32 $0xFFFFE000;
	s12 =	sor.u32 s12, s14  }
0x5c: {  	v5 =	vld [tilespmem:s12+$0x4300]  }
0x5d: {  	v3 =	vld [tilespmem:s12+$0x4200]  }
0x5e: {  	v4 =	vld [tilespmem:s12+$0x6180]  }
0x5f: {  	v6 =	vld [tilespmem:s12+$0x6100]  }
0x60: {  	v7 =	vld [tilespmem:s12+$0x4100]  }
0x61: {  	v9 =	vld [tilespmem:s12+$0x4080]  }
0x62: {  	s18 =	simm.s32 $0x10;
	s14 =	sor.u32 s3, s3;
	v8 =	vld [tilespmem:s12+$0x4000]  }
.LBB2_3:
0x63: {  	p0 =	sne.s32 s18, $0x3F0  }
0x64: {  	v10 =	vld [tilespmem:s12+$0x6080];
	s3 =	sadd.s32 $0x80, s3;
	s20 =	smov.u32 s18;
	s18 =	sadd.s32 $0x10, s18  }
0x65: {  	s22 =	sor.u32 s3, s20;
	v11 =	vld [tilespmem:s12+$0x6000]  }
0x66: {  	v12 =	vld [tilespmem:s12+$0x6300]  }
0x67: {  	v13 =	vld [tilespmem:s12+$0x6200]  }
0x68: {  	v14 =	vld [tilespmem:s12+$0x4180]  }
0x69: {  	v9 =	vadd.f32 v9, v10;
	v10 =	vld [tilespmem:s12+$0x4280]  }
0x6a: {  	v6 =	vadd.f32 v7, v6;
	v8 =	vadd.f32 v8, v11;
	v7 =	vld [tilespmem:s12+$0x6280]  }
0x6b: {  	[tilespmem:s12+$0x6080] =	vst v9;
	v5 =	vadd.f32 v5, v12  }
0x6c: {  	[tilespmem:s12+$0x6100] =	vst v6;
	v3 =	vadd.f32 v3, v13  }
0x6d: {  	[tilespmem:s12+$0x6000] =	vst v8;
	v4 =	vadd.f32 v14, v4  }
0x6e: {  	[tilespmem:s12+$0x6300] =	vst v5  }
0x6f: {  	[tilespmem:s12+$0x6180] =	vst v4;
	v4 =	vadd.f32 v10, v7  }
0x70: {  	[tilespmem:s12+$0x6200] =	vst v3  }
0x71: {  	s24 =	sor.u32 $0x380, s14;
	s20 =	sand.u32 $0x70, s20;
	s23 =	sand.u32 $0x1C00, s3;
	[tilespmem:s12+$0x6280] =	vst v4  }
0x72: {  	s14 =	smov.u32 s22;
	s12 =	sor.u32 s20, s23;
	v3 =	vld [tilespmem:s24+$0x6000]  }
0x73: {  	v4 =	vld [tilespmem:s24+$0x4000];
	_ =	sdelay $0x4  }
0x74: {  	v3 =	vadd.f32 v4, v3;
	_ =	sdelay $0x1  }
0x75: {  	[tilespmem:s24+$0x6000] =	vst v3  }
0x76: {  	v5 =	vld [tilespmem:s12+$0x4300]  }
0x77: {  	v3 =	vld [tilespmem:s12+$0x4200]  }
.Ltmp2:
0x78: {  	v4 =	vld [tilespmem:s12+$0x6180];
	(pc) =	sbr.rel @p0 .LBB2_3-.Ltmp2, $4  }
0x79: {  	v6 =	vld [tilespmem:s12+$0x6100]  }
0x7a: {  	v7 =	vld [tilespmem:s12+$0x4100]  }
0x7b: {  	v9 =	vld [tilespmem:s12+$0x4080]  }
0x7c: {  	v8 =	vld [tilespmem:s12+$0x4000]  }
0x7d: {  	v10 =	vld [tilespmem:s12+$0x6080]  }
0x7e: {  	v11 =	vld [tilespmem:s12+$0x6000]  }
0x7f: {  	v12 =	vld [tilespmem:s12+$0x6300]  }
0x80: {  	v13 =	vld [tilespmem:s12+$0x6200]  }
0x81: {  	v14 =	vld [tilespmem:s12+$0x4180]  }
0x82: {  	v6 =	vadd.f32 v7, v6;
	v7 =	vld [tilespmem:s12+$0x6280]  }
0x83: {  	v9 =	vadd.f32 v9, v10;
	v10 =	vld [tilespmem:s12+$0x4280]  }
0x84: {  	[tilespmem:s12+$0x6100] =	vst v6;
	v8 =	vadd.f32 v8, v11  }
0x85: {  	v5 =	vadd.f32 v5, v12;
	[tilespmem:s12+$0x6080] =	vst v9  }
0x86: {  	v4 =	vadd.f32 v14, v4;
	[tilespmem:s12+$0x6000] =	vst v8  }
0x87: {  	v3 =	vadd.f32 v3, v13;
	[tilespmem:s12+$0x6300] =	vst v5  }
0x88: {  	[tilespmem:s12+$0x6180] =	vst v4;
	v4 =	vadd.f32 v10, v7  }
0x89: {  	[tilespmem:s12+$0x6200] =	vst v3  }
0x8a: {  	s3 =	sor.u32 $0x380, s14;
	[tilespmem:s12+$0x6280] =	vst v4  }
0x8b: {  	v3 =	vld [tilespmem:s3+$0x6000]  }
0x8c: {  	v4 =	vld [tilespmem:s3+$0x4000];
	_ =	sdelay $0x4  }
0x8d: {  	s22 =	sshll.u32 s13, $0x11;
	v3 =	vadd.f32 v4, v3  }
0x8e: {  	s23 =	rddreg [dreg:$0x3];
	s18 =	sor.u32 s7, s22  }
0x8f: {  	s24 =	simm.s32 $0x6000;
	[tilespmem:s3+$0x6000] =	vst v3;
	s3 =	sadd.s32 s23, s18  }
0x90: {  	[hbm4b:s3+s4] =	stream.linear.scatter [tilespmem:s24], [sflag:$0x5], $0x2000, $0x38;
	[tilespmem:$0xE000] =	vst v63  }
0x91: {  	_ =	swait.ge [sflag:s28], $0x2000  }
0x92: {  	s14 =	sshll.u32 s13, $0xC;
	p0 =	seq.s32 s13, $0xF;
	[sflag:s28] =	ssyncset.done $0x0  }
0x93: {  	s3 =	sshrl.u32 @!p0 s14, $0x2;
	[sflag:s28] =	ssyncadd.s32 $0xFFFFE000  }
0x94: {  	v3 =	vld.idx.msk @!p0 [tilespmem:v2+s3+$0x400 ss:$0x1], $0xff;
	_ =	sdelay $0x4  }
0x95: {  	v4 =	vshll.u32 @!p0 v3, $0x3  }
0x96: {  	v5 =	vlaneseq.u32 @!p0;
	v3 =	vand.u32 @!p0 $0x7, v3;
	v4 =	vand.u32 @!p0 $0xFFFFFFC0, v4  }
0x97: {  	v3 =	vor.u32 @!p0 v3, v4;
	v4 =	vand.u32 @!p0 $0x7, v5;
	v5 =	vshrl.u32 @!p0 v5, $0x3  }
0x98: {  	v3 =	vperm.xlane @!p0 v3, v4;
	v4 =	vmul.u32 @!p0 $0x8, v5;
	_ =	sdelay $0x1  }
0x99: {  	v3 =	vadd.s32 @!p0 v4, v3;
	_ =	sdelay $0x3  }
0x9a: {  	vm1 =	vmmov @!p0 $0xffff;
	s20 =	simm.s32 @!p0 $0x6000;
	s12 =	simm.s32 @!p0 $0x0  }
0x9b: {  	[tilespmem:s20], [sflag:$0x1] =	stream.indirect_vreg.gather @!p0 [hbm4b:s1+s12], $0x80, v3, vm1, $0xb8;
	[tilespmem:$0xE000] =	vst v63  }
0x9c: {  	s20 =	simm.s32 @!p0 $0x6800  }
0x9d: {  	[tilespmem:s20], [sflag:$0x1] =	stream.indirect_vreg.gather @!p0 [hbm4b:s9+s12], $0x80, v3, vm1, $0xb8;
	[tilespmem:$0xE000] =	vst v63  }
0x9e: {  	s20 =	simm.s32 @!p0 $0x7000  }
0x9f: {  	[tilespmem:s20], [sflag:$0x1] =	stream.indirect_vreg.gather @!p0 [hbm4b:s10+s12], $0x80, v3, vm1, $0xb8;
	[tilespmem:$0xE000] =	vst v63  }
0xa0: {  	s20 =	simm.s32 @!p0 $0x7800  }
0xa1: {  	[tilespmem:s20], [sflag:$0x1] =	stream.indirect_vreg.gather @!p0 [hbm4b:s11+s12], $0x80, v3, vm1, $0xb8;
	[tilespmem:$0xE000] =	vst v63  }
0xa2: {  	s22 =	simm.s32 $0x0;
	_ =	swait.ge [sflag:s29], $0x2000  }
0xa3: {  	s25 =	sand.u32 $0x70, s22;
	s30 =	sand.u32 $0x1C00, s22;
	[sflag:s29] =	ssyncset.done $0x0  }
0xa4: {  	s12 =	sor.u32 s25, s30;
	[sflag:s29] =	ssyncadd.s32 $0xFFFFE000  }
0xa5: {  	v5 =	vld [tilespmem:s12+$0x4300]  }
0xa6: {  	v3 =	vld [tilespmem:s12+$0x4200]  }
0xa7: {  	v4 =	vld [tilespmem:s12+$0x8180]  }
0xa8: {  	v6 =	vld [tilespmem:s12+$0x8100]  }
0xa9: {  	v7 =	vld [tilespmem:s12+$0x4100]  }
0xaa: {  	v9 =	vld [tilespmem:s12+$0x4080]  }
0xab: {  	s23 =	simm.s32 $0x10;
	s20 =	sadd.s32 @!p0 s5, s3;
	s3 =	sor.u32 s22, s22;
	v8 =	vld [tilespmem:s12+$0x4000]  }
.LBB2_5:
0xac: {  	p1 =	sne.s32 s23, $0x3F0  }
0xad: {  	v10 =	vld [tilespmem:s12+$0x8080];
	s22 =	sadd.s32 $0x80, s22;
	s24 =	smov.u32 s23;
	s23 =	sadd.s32 $0x10, s23  }
0xae: {  	s21 =	sor.u32 s22, s24;
	v11 =	vld [tilespmem:s12+$0x8000]  }
0xaf: {  	v12 =	vld [tilespmem:s12+$0x8300]  }
0xb0: {  	v13 =	vld [tilespmem:s12+$0x8200]  }
0xb1: {  	v14 =	vld [tilespmem:s12+$0x4180]  }
0xb2: {  	v9 =	vadd.f32 v9, v10;
	v10 =	vld [tilespmem:s12+$0x4280]  }
0xb3: {  	v6 =	vadd.f32 v7, v6;
	v8 =	vadd.f32 v8, v11;
	v7 =	vld [tilespmem:s12+$0x8280]  }
0xb4: {  	[tilespmem:s12+$0x8080] =	vst v9;
	v5 =	vadd.f32 v5, v12  }
0xb5: {  	[tilespmem:s12+$0x8100] =	vst v6;
	v3 =	vadd.f32 v3, v13  }
0xb6: {  	[tilespmem:s12+$0x8000] =	vst v8;
	v4 =	vadd.f32 v14, v4  }
0xb7: {  	[tilespmem:s12+$0x8300] =	vst v5  }
0xb8: {  	[tilespmem:s12+$0x8180] =	vst v4;
	v4 =	vadd.f32 v10, v7  }
0xb9: {  	[tilespmem:s12+$0x8200] =	vst v3  }
0xba: {  	s30 =	sor.u32 $0x380, s3;
	s24 =	sand.u32 $0x70, s24;
	s25 =	sand.u32 $0x1C00, s22;
	[tilespmem:s12+$0x8280] =	vst v4  }
0xbb: {  	s3 =	smov.u32 s21;
	s12 =	sor.u32 s24, s25;
	v3 =	vld [tilespmem:s30+$0x8000]  }
0xbc: {  	v4 =	vld [tilespmem:s30+$0x4000];
	_ =	sdelay $0x4  }
0xbd: {  	v3 =	vadd.f32 v4, v3;
	_ =	sdelay $0x1  }
0xbe: {  	[tilespmem:s30+$0x8000] =	vst v3  }
0xbf: {  	v5 =	vld [tilespmem:s12+$0x4300]  }
0xc0: {  	v3 =	vld [tilespmem:s12+$0x4200]  }
.Ltmp3:
0xc1: {  	v4 =	vld [tilespmem:s12+$0x8180];
	(pc) =	sbr.rel @p1 .LBB2_5-.Ltmp3, $4  }
0xc2: {  	v6 =	vld [tilespmem:s12+$0x8100]  }
0xc3: {  	v7 =	vld [tilespmem:s12+$0x4100]  }
0xc4: {  	v9 =	vld [tilespmem:s12+$0x4080]  }
0xc5: {  	v8 =	vld [tilespmem:s12+$0x4000]  }
0xc6: {  	v10 =	vld [tilespmem:s12+$0x8080]  }
0xc7: {  	v11 =	vld [tilespmem:s12+$0x8000]  }
0xc8: {  	v12 =	vld [tilespmem:s12+$0x8300]  }
0xc9: {  	v13 =	vld [tilespmem:s12+$0x8200]  }
0xca: {  	v14 =	vld [tilespmem:s12+$0x4180]  }
0xcb: {  	v6 =	vadd.f32 v7, v6;
	v7 =	vld [tilespmem:s12+$0x8280]  }
0xcc: {  	v9 =	vadd.f32 v9, v10;
	v10 =	vld [tilespmem:s12+$0x4280]  }
0xcd: {  	[tilespmem:s12+$0x8100] =	vst v6;
	v8 =	vadd.f32 v8, v11  }
0xce: {  	v5 =	vadd.f32 v5, v12;
	[tilespmem:s12+$0x8080] =	vst v9  }
0xcf: {  	v4 =	vadd.f32 v14, v4;
	[tilespmem:s12+$0x8000] =	vst v8  }
0xd0: {  	v3 =	vadd.f32 v3, v13;
	[tilespmem:s12+$0x8300] =	vst v5  }
0xd1: {  	[tilespmem:s12+$0x8180] =	vst v4;
	v4 =	vadd.f32 v10, v7  }
0xd2: {  	[tilespmem:s12+$0x8200] =	vst v3  }
0xd3: {  	s3 =	sor.u32 $0x380, s3;
	[tilespmem:s12+$0x8280] =	vst v4  }
0xd4: {  	v3 =	vld [tilespmem:s3+$0x8000]  }
0xd5: {  	v4 =	vld [tilespmem:s3+$0x4000];
	_ =	sdelay $0x4  }
0xd6: {  	v3 =	vadd.f32 v4, v3;
	_ =	sdelay $0x1  }
0xd7: {  	s23 =	sadd.s32 s18, s15;
	s24 =	simm.s32 $0x8000;
	[tilespmem:s3+$0x8000] =	vst v3  }
0xd8: {  	[hbm4b:s23+s4] =	stream.linear.scatter [tilespmem:s24], [sflag:$0x6], $0x2000, $0x38;
	[tilespmem:$0xE000] =	vst v63  }
0xd9: {  	_ =	swait.ge [sflag:s31], $0x2000  }
0xda: {  	[sflag:s31] =	ssyncset.done $0x0  }
0xdb: {  	[sflag:s31] =	ssyncadd.s32 $0xFFFFE000  }
0xdc: {  	v3 =	vld.msk @!p0 [tilespmem:s20+$0x500], $0xff;
	_ =	sdelay $0x4  }
0xdd: {  	v4 =	vshll.u32 @!p0 v3, $0x3  }
0xde: {  	v5 =	vlaneseq.u32 @!p0;
	v3 =	vand.u32 @!p0 $0x7, v3;
	v4 =	vand.u32 @!p0 $0xFFFFFFC0, v4  }
0xdf: {  	v3 =	vor.u32 @!p0 v3, v4;
	v4 =	vand.u32 @!p0 $0x7, v5;
	v5 =	vshrl.u32 @!p0 v5, $0x3  }
0xe0: {  	v3 =	vperm.xlane @!p0 v3, v4;
	v4 =	vmul.u32 @!p0 $0x8, v5;
	_ =	sdelay $0x1  }
0xe1: {  	v3 =	vadd.s32 @!p0 v4, v3;
	_ =	sdelay $0x3  }
0xe2: {  	s12 =	simm.s32 @!p0 $0x8000;
	s3 =	simm.s32 @!p0 $0x0  }
0xe3: {  	[tilespmem:s12], [sflag:$0x2] =	stream.indirect_vreg.gather @!p0 [hbm4b:s1+s3], $0x80, v3, vm1, $0xb8;
	[tilespmem:$0xE000] =	vst v63  }
0xe4: {  	s12 =	simm.s32 @!p0 $0x8800  }
0xe5: {  	[tilespmem:s12], [sflag:$0x2] =	stream.indirect_vreg.gather @!p0 [hbm4b:s9+s3], $0x80, v3, vm1, $0xb8;
	[tilespmem:$0xE000] =	vst v63  }
0xe6: {  	s12 =	simm.s32 @!p0 $0x9000  }
0xe7: {  	[tilespmem:s12], [sflag:$0x2] =	stream.indirect_vreg.gather @!p0 [hbm4b:s10+s3], $0x80, v3, vm1, $0xb8;
	[tilespmem:$0xE000] =	vst v63  }
0xe8: {  	s12 =	simm.s32 @!p0 $0x9800  }
0xe9: {  	[tilespmem:s12], [sflag:$0x2] =	stream.indirect_vreg.gather @!p0 [hbm4b:s11+s3], $0x80, v3, vm1, $0xb8;
	[tilespmem:$0xE000] =	vst v63  }
0xea: {  	s22 =	simm.s32 $0x0;
	_ =	swait.ge [sflag:s0], $0x2000  }
0xeb: {  	s25 =	sand.u32 $0x70, s22;
	s30 =	sand.u32 $0x1C00, s22;
	[sflag:s0] =	ssyncset.done $0x0  }
0xec: {  	s12 =	sor.u32 s25, s30;
	[sflag:s0] =	ssyncadd.s32 $0xFFFFE000  }
0xed: {  	v5 =	vld [tilespmem:s12+$0x4300]  }
0xee: {  	v3 =	vld [tilespmem:s12+$0x4200]  }
0xef: {  	v4 =	vld [tilespmem:s12+$0xA180]  }
0xf0: {  	v6 =	vld [tilespmem:s12+$0xA100]  }
0xf1: {  	v7 =	vld [tilespmem:s12+$0x4100]  }
0xf2: {  	v9 =	vld [tilespmem:s12+$0x4080]  }
0xf3: {  	s23 =	simm.s32 $0x10;
	s3 =	sor.u32 s22, s22;
	v8 =	vld [tilespmem:s12+$0x4000]  }
.LBB2_7:
0xf4: {  	p1 =	sne.s32 s23, $0x3F0  }
0xf5: {  	v10 =	vld [tilespmem:s12+$0xA080];
	s22 =	sadd.s32 $0x80, s22;
	s21 =	smov.u32 s23;
	s23 =	sadd.s32 $0x10, s23  }
0xf6: {  	s24 =	sor.u32 s22, s21;
	v11 =	vld [tilespmem:s12+$0xA000]  }
0xf7: {  	v12 =	vld [tilespmem:s12+$0xA300]  }
0xf8: {  	v13 =	vld [tilespmem:s12+$0xA200]  }
0xf9: {  	v14 =	vld [tilespmem:s12+$0x4180]  }
0xfa: {  	v9 =	vadd.f32 v9, v10;
	v10 =	vld [tilespmem:s12+$0x4280]  }
0xfb: {  	v6 =	vadd.f32 v7, v6;
	v8 =	vadd.f32 v8, v11;
	v7 =	vld [tilespmem:s12+$0xA280]  }
0xfc: {  	[tilespmem:s12+$0xA080] =	vst v9;
	v5 =	vadd.f32 v5, v12  }
0xfd: {  	[tilespmem:s12+$0xA100] =	vst v6;
	v3 =	vadd.f32 v3, v13  }
0xfe: {  	[tilespmem:s12+$0xA000] =	vst v8;
	v4 =	vadd.f32 v14, v4  }
0xff: {  	[tilespmem:s12+$0xA300] =	vst v5  }
0x100: {  	[tilespmem:s12+$0xA180] =	vst v4;
	v4 =	vadd.f32 v10, v7  }
0x101: {  	[tilespmem:s12+$0xA200] =	vst v3  }
0x102: {  	s30 =	sor.u32 $0x380, s3;
	s21 =	sand.u32 $0x70, s21;
	s25 =	sand.u32 $0x1C00, s22;
	[tilespmem:s12+$0xA280] =	vst v4  }
0x103: {  	s3 =	smov.u32 s24;
	s12 =	sor.u32 s21, s25;
	v3 =	vld [tilespmem:s30+$0xA000]  }
0x104: {  	v4 =	vld [tilespmem:s30+$0x4000];
	_ =	sdelay $0x4  }
0x105: {  	v3 =	vadd.f32 v4, v3;
	_ =	sdelay $0x1  }
0x106: {  	[tilespmem:s30+$0xA000] =	vst v3  }
0x107: {  	v5 =	vld [tilespmem:s12+$0x4300]  }
0x108: {  	v3 =	vld [tilespmem:s12+$0x4200]  }
.Ltmp4:
0x109: {  	v4 =	vld [tilespmem:s12+$0xA180];
	(pc) =	sbr.rel @p1 .LBB2_7-.Ltmp4, $4  }
0x10a: {  	v6 =	vld [tilespmem:s12+$0xA100]  }
0x10b: {  	v7 =	vld [tilespmem:s12+$0x4100]  }
0x10c: {  	v9 =	vld [tilespmem:s12+$0x4080]  }
0x10d: {  	v8 =	vld [tilespmem:s12+$0x4000]  }
0x10e: {  	v10 =	vld [tilespmem:s12+$0xA080]  }
0x10f: {  	v11 =	vld [tilespmem:s12+$0xA000]  }
0x110: {  	v12 =	vld [tilespmem:s12+$0xA300]  }
0x111: {  	v13 =	vld [tilespmem:s12+$0xA200]  }
0x112: {  	v14 =	vld [tilespmem:s12+$0x4180]  }
0x113: {  	v6 =	vadd.f32 v7, v6;
	v7 =	vld [tilespmem:s12+$0xA280]  }
0x114: {  	v9 =	vadd.f32 v9, v10;
	v10 =	vld [tilespmem:s12+$0x4280]  }
0x115: {  	[tilespmem:s12+$0xA100] =	vst v6;
	v8 =	vadd.f32 v8, v11  }
0x116: {  	v5 =	vadd.f32 v5, v12;
	[tilespmem:s12+$0xA080] =	vst v9  }
0x117: {  	v4 =	vadd.f32 v14, v4;
	[tilespmem:s12+$0xA000] =	vst v8  }
0x118: {  	v3 =	vadd.f32 v3, v13;
	[tilespmem:s12+$0xA300] =	vst v5  }
0x119: {  	[tilespmem:s12+$0xA180] =	vst v4;
	v4 =	vadd.f32 v10, v7  }
0x11a: {  	[tilespmem:s12+$0xA200] =	vst v3  }
0x11b: {  	s3 =	sor.u32 $0x380, s3;
	[tilespmem:s12+$0xA280] =	vst v4  }
0x11c: {  	v3 =	vld [tilespmem:s3+$0xA000]  }
0x11d: {  	v4 =	vld [tilespmem:s3+$0x4000];
	_ =	sdelay $0x4  }
0x11e: {  	v3 =	vadd.f32 v4, v3;
	_ =	sdelay $0x1  }
0x11f: {  	s23 =	sadd.s32 s18, s16;
	s24 =	simm.s32 $0xA000;
	[tilespmem:s3+$0xA000] =	vst v3  }
0x120: {  	[hbm4b:s23+s4] =	stream.linear.scatter [tilespmem:s24], [sflag:$0x7], $0x2000, $0x38;
	[tilespmem:$0xE000] =	vst v63  }
0x121: {  	_ =	swait.ge [sflag:s2], $0x2000  }
0x122: {  	[sflag:s2] =	ssyncset.done $0x0  }
0x123: {  	[sflag:s2] =	ssyncadd.s32 $0xFFFFE000  }
0x124: {  	v3 =	vld.msk @!p0 [tilespmem:s20+$0x600], $0xff;
	_ =	sdelay $0x4  }
0x125: {  	v4 =	vshll.u32 @!p0 v3, $0x3  }
0x126: {  	v5 =	vlaneseq.u32 @!p0;
	v3 =	vand.u32 @!p0 $0x7, v3;
	v4 =	vand.u32 @!p0 $0xFFFFFFC0, v4  }
0x127: {  	v3 =	vor.u32 @!p0 v3, v4;
	v4 =	vand.u32 @!p0 $0x7, v5;
	v5 =	vshrl.u32 @!p0 v5, $0x3  }
0x128: {  	v3 =	vperm.xlane @!p0 v3, v4;
	v4 =	vmul.u32 @!p0 $0x8, v5;
	_ =	sdelay $0x1  }
0x129: {  	v3 =	vadd.s32 @!p0 v4, v3;
	_ =	sdelay $0x3  }
0x12a: {  	s12 =	simm.s32 @!p0 $0xA000;
	s3 =	simm.s32 @!p0 $0x0  }
0x12b: {  	[tilespmem:s12], [sflag:$0x3] =	stream.indirect_vreg.gather @!p0 [hbm4b:s1+s3], $0x80, v3, vm1, $0xb8;
	[tilespmem:$0xE000] =	vst v63  }
0x12c: {  	s12 =	simm.s32 @!p0 $0xA800  }
0x12d: {  	[tilespmem:s12], [sflag:$0x3] =	stream.indirect_vreg.gather @!p0 [hbm4b:s9+s3], $0x80, v3, vm1, $0xb8;
	[tilespmem:$0xE000] =	vst v63  }
0x12e: {  	s12 =	simm.s32 @!p0 $0xB000  }
0x12f: {  	[tilespmem:s12], [sflag:$0x3] =	stream.indirect_vreg.gather @!p0 [hbm4b:s10+s3], $0x80, v3, vm1, $0xb8;
	[tilespmem:$0xE000] =	vst v63  }
0x130: {  	s12 =	simm.s32 @!p0 $0xB800  }
0x131: {  	[tilespmem:s12], [sflag:$0x3] =	stream.indirect_vreg.gather @!p0 [hbm4b:s11+s3], $0x80, v3, vm1, $0xb8;
	[tilespmem:$0xE000] =	vst v63  }
0x132: {  	s20 =	simm.s32 $0x0;
	_ =	swait.ge [sflag:s6], $0x2000  }
0x133: {  	s25 =	sand.u32 $0x70, s20;
	s30 =	sand.u32 $0x1C00, s20;
	[sflag:s6] =	ssyncset.done $0x0  }
0x134: {  	s12 =	sor.u32 s25, s30;
	[sflag:s6] =	ssyncadd.s32 $0xFFFFE000  }
0x135: {  	v5 =	vld [tilespmem:s12+$0x4300]  }
0x136: {  	v3 =	vld [tilespmem:s12+$0x4200]  }
0x137: {  	v4 =	vld [tilespmem:s12+$0xC180]  }
0x138: {  	v6 =	vld [tilespmem:s12+$0xC100]  }
0x139: {  	v7 =	vld [tilespmem:s12+$0x4100]  }
0x13a: {  	v9 =	vld [tilespmem:s12+$0x4080]  }
0x13b: {  	s22 =	simm.s32 $0x10;
	s3 =	sor.u32 s20, s20;
	v8 =	vld [tilespmem:s12+$0x4000]  }
.LBB2_9:
0x13c: {  	p1 =	sne.s32 s22, $0x3F0  }
0x13d: {  	v10 =	vld [tilespmem:s12+$0xC080];
	s20 =	sadd.s32 $0x80, s20;
	s21 =	smov.u32 s22;
	s22 =	sadd.s32 $0x10, s22  }
0x13e: {  	s23 =	sor.u32 s20, s21;
	v11 =	vld [tilespmem:s12+$0xC000]  }
0x13f: {  	v12 =	vld [tilespmem:s12+$0xC300]  }
0x140: {  	v13 =	vld [tilespmem:s12+$0xC200]  }
0x141: {  	v14 =	vld [tilespmem:s12+$0x4180]  }
0x142: {  	v9 =	vadd.f32 v9, v10;
	v10 =	vld [tilespmem:s12+$0x4280]  }
0x143: {  	v6 =	vadd.f32 v7, v6;
	v8 =	vadd.f32 v8, v11;
	v7 =	vld [tilespmem:s12+$0xC280]  }
0x144: {  	[tilespmem:s12+$0xC080] =	vst v9;
	v5 =	vadd.f32 v5, v12  }
0x145: {  	[tilespmem:s12+$0xC100] =	vst v6;
	v3 =	vadd.f32 v3, v13  }
0x146: {  	[tilespmem:s12+$0xC000] =	vst v8;
	v4 =	vadd.f32 v14, v4  }
0x147: {  	[tilespmem:s12+$0xC300] =	vst v5  }
0x148: {  	[tilespmem:s12+$0xC180] =	vst v4;
	v4 =	vadd.f32 v10, v7  }
0x149: {  	[tilespmem:s12+$0xC200] =	vst v3  }
0x14a: {  	s25 =	sor.u32 $0x380, s3;
	s21 =	sand.u32 $0x70, s21;
	s24 =	sand.u32 $0x1C00, s20;
	[tilespmem:s12+$0xC280] =	vst v4  }
0x14b: {  	s3 =	smov.u32 s23;
	s12 =	sor.u32 s21, s24;
	v3 =	vld [tilespmem:s25+$0xC000]  }
0x14c: {  	v4 =	vld [tilespmem:s25+$0x4000];
	_ =	sdelay $0x4  }
0x14d: {  	v3 =	vadd.f32 v4, v3;
	_ =	sdelay $0x1  }
0x14e: {  	[tilespmem:s25+$0xC000] =	vst v3  }
0x14f: {  	v5 =	vld [tilespmem:s12+$0x4300]  }
0x150: {  	v3 =	vld [tilespmem:s12+$0x4200]  }
.Ltmp5:
0x151: {  	v4 =	vld [tilespmem:s12+$0xC180];
	(pc) =	sbr.rel @p1 .LBB2_9-.Ltmp5, $4  }
0x152: {  	v6 =	vld [tilespmem:s12+$0xC100]  }
0x153: {  	v7 =	vld [tilespmem:s12+$0x4100]  }
0x154: {  	v9 =	vld [tilespmem:s12+$0x4080]  }
0x155: {  	v8 =	vld [tilespmem:s12+$0x4000]  }
0x156: {  	v10 =	vld [tilespmem:s12+$0xC080]  }
0x157: {  	v11 =	vld [tilespmem:s12+$0xC000]  }
0x158: {  	v12 =	vld [tilespmem:s12+$0xC300]  }
0x159: {  	v13 =	vld [tilespmem:s12+$0xC200]  }
0x15a: {  	v14 =	vld [tilespmem:s12+$0x4180]  }
0x15b: {  	v61 =	vld [tilespmem:s12+$0x4280];
	v6 =	vadd.f32 v7, v6  }
0x15c: {  	v62 =	vld [tilespmem:s12+$0xC280];
	v9 =	vadd.f32 v9, v10  }
0x15d: {  	[tilespmem:s12+$0xC100] =	vst v6;
	v8 =	vadd.f32 v8, v11  }
0x15e: {  	v5 =	vadd.f32 v5, v12;
	[tilespmem:s12+$0xC080] =	vst v9  }
0x15f: {  	v4 =	vadd.f32 v14, v4;
	[tilespmem:s12+$0xC000] =	vst v8  }
0x160: {  	v3 =	vadd.f32 v3, v13;
	[tilespmem:s12+$0xC300] =	vst v5  }
0x161: {  	v63 =	vadd.f32 v61, v62;
	[tilespmem:s12+$0xC180] =	vst v4  }
0x162: {  	[tilespmem:s12+$0xC200] =	vst v3  }
0x163: {  	s3 =	sor.u32 $0x380, s3;
	[tilespmem:s12+$0xC280] =	vst v63  }
0x164: {  	v3 =	vld [tilespmem:s3+$0xC000]  }
0x165: {  	v4 =	vld [tilespmem:s3+$0x4000];
	_ =	sdelay $0x4  }
0x166: {  	v3 =	vadd.f32 v4, v3;
	_ =	sdelay $0x1  }
.Ltmp6:
0x167: {  	s30 =	sadd.s32 s18, s17;
	[tilespmem:s3+$0xC000] =	vst v3;
	(pc) =	sbr.rel @p0 .LBB2_12-.Ltmp6, $4  }
0x168: {  	[hbm4b:s30+s4] =	stream.linear.scatter [tilespmem:s19], [sflag:$0x8], $0x2000, $0x38;
	[tilespmem:$0xE000] =	vst v63  }
0x169: {  	_ =	swait.ge [sflag:s8], $0x2000  }
0x16a: {  	[sflag:s8] =	ssyncset.done $0x0  }
0x16b: {  	[sflag:s8] =	ssyncadd.s32 $0xFFFFE000  }
0x16c: {  	_ =	sdelay $0x2  }
0x16d: {  	s3 =	sshrl.u32 s14, $0x2  }
0x16e: {  	v3 =	vld.idx.msk [tilespmem:v2+s3+$0x700 ss:$0x1], $0xff;
	_ =	sdelay $0x4  }
0x16f: {  	v4 =	vshll.u32 v3, $0x3  }
0x170: {  	v3 =	vand.u32 $0x7, v3;
	v4 =	vand.u32 $0xFFFFFFC0, v4  }
0x171: {  	v3 =	vor.u32 v3, v4  }
0x172: {  	v3 =	vperm.xlane v3, v0;
	_ =	sdelay $0x1  }
0x173: {  	v3 =	vadd.s32 v1, v3;
	_ =	sdelay $0x4  }
0x174: {  	[tilespmem:s19], [sflag:$0x4] =	stream.indirect_vreg.gather [hbm4b:s1+s4], $0x80, v3, vm0, $0xb8;
	[tilespmem:$0xE000] =	vst v63  }
0x175: {  	s24 =	simm.s32 $0xC800  }
0x176: {  	[tilespmem:s24], [sflag:$0x4] =	stream.indirect_vreg.gather [hbm4b:s9+s4], $0x80, v3, vm0, $0xb8;
	[tilespmem:$0xE000] =	vst v63  }
.Ltmp7:
0x177: {  	_ = 	snop;
	(pc) =	sbr.rel .LBB2_2-.Ltmp7, $4  }
0x178: {  	s25 =	simm.s32 $0xD000  }
0x179: {  	[tilespmem:s25], [sflag:$0x4] =	stream.indirect_vreg.gather [hbm4b:s10+s4], $0x80, v3, vm0, $0xb8;
	[tilespmem:$0xE000] =	vst v63  }
0x17a: {  	s30 =	simm.s32 $0xD800;
	s13 =	sadd.s32 $0x1, s13  }
0x17b: {  	[tilespmem:s30], [sflag:$0x4] =	stream.indirect_vreg.gather [hbm4b:s11+s4], $0x80, v3, vm0, $0xb8;
	[tilespmem:$0xE000] =	vst v63  }
.LBB2_13:
0x17c: {  	_ =	sfence.sel $0x180000  }
0x17d: {  	[bflag:$0x0] =	sbarrier.arrive $0xFFFF  }
0x17e: {  	_ =	strace $0x90000047  }
0x17f: {  	s0 =	stileid.u32;
	[bflag:$0x2] =	sbarrier.arrive $0xFFFF  }
0x180: {  	p0 =	sne.s32 s0, $0x0;
	s0 =	rddreg [dreg:$0x4]  }
0x181: {  	s0 =	sadd.s32 @!p0 $0x100000, s0  }
0x182: {  	[sflag:s0] =	ssyncadd.tile.s32 @!p0 $0x1;
	_ =	shalt  }
.Lfunc_end2:
_tile_overlayer_lowered:
.L_overlay_start_2:
0x183: {  	(tag) =	ssettag $0x2  }
0x184: {  	s0 =	rddreg [dreg:$0x0];
	s2 =	stileid.u32  }
0x185: {  	s1 =	rddreg [dreg:$0x1];
	p0 =	sne.s32 s2, $0x0  }
0x186: {  	s3 =	rddreg [dreg:$0x2];
	[bflag:$0x3] =	sbarrier.arrive $0xFFFF;
	s2 =	simm.s32 @!p0 $0x1C09  }
0x187: {  	[timem:s3], [sflag:s2] =	dma.local @!p0 [hbm:s0], s1  }
0x188: {  	s0 =	simm.s32 @!p0 $0x9  }
0x189: {  	_ =	swait.ge @!p0 [sflag:s0], s1  }
0x18a: {  	s1 =	ssub.s32 @!p0 $0x0, s1;
	[sflag:s0] =	ssyncset.done @!p0 $0x0  }
0x18b: {  	[sflag:s0] =	ssyncadd.s32 @!p0 s1  }
0x18c: {  	[bflag:$0x3] =	sbarrier.arrive $0xFFFF  }
0x18d: {  	_ =	shalt  }

</sc_bundles>
